<compile_context>
chip_gen: v7x
topology: tpu7x:2x2x1
jax: 0.10.2.dev20260603
libtpu: 0.0.44.dev20260713+nightly
codegen_flags: <defaults>
</compile_context>

<pallas_src>
import jax
import jax.numpy as jnp
from jax import lax
from jax.experimental import pallas as pl
from jax.experimental.pallas import tpu as pltpu
from jax.experimental.pallas import tpu_sc as plsc

SEQ_LEN = 384
REAL_LEN = 355
CLS_ID = 101
SEP_ID = 102

B = 1024
D = 128
ROWS = B * SEQ_LEN
NW = 32
ROWS_PER_W = ROWS // NW
CHUNK = 128
SPLIT = 2
NCHUNK = ROWS_PER_W // CHUNK
CHUNKS_PER_SEQ = SEQ_LEN // CHUNK


NBUF = 4


def _sc_body(ids_hbm, word_hbm, bias_hbm, out_hbm, idx_v, bias_sh, g_v,
             g_sem, o_sem):
    nc = 2
    wid = lax.axis_index("s") * nc + lax.axis_index("c")
    base_chunk = wid * NCHUNK

    pltpu.sync_copy(
        ids_hbm.at[pl.ds(base_chunk * SPLIT, NCHUNK * SPLIT), :], idx_v
    )

    @pl.when(lax.axis_index("s") == 0)
    def _():
        pltpu.sync_copy(bias_hbm, bias_sh)

    plsc.subcore_barrier()

    def gather_start(c, b):
        for h in range(SPLIT):
            pltpu.async_copy(
                word_hbm.at[idx_v.at[c * SPLIT + h]],
                g_v.at[b, pl.ds(h * (CHUNK // SPLIT), CHUNK // SPLIT), :],
                g_sem.at[b],
                add=True,
            )

    def gather_wait(c, b):
        for h in range(SPLIT):
            pltpu.make_async_copy(
                word_hbm.at[idx_v.at[c * SPLIT + h]],
                g_v.at[b, pl.ds(h * (CHUNK // SPLIT), CHUNK // SPLIT), :],
                g_sem.at[b],
            ).wait()

    def out_start(c, b):
        pltpu.async_copy(
            g_v.at[b],
            out_hbm.at[pl.ds((base_chunk + c) * CHUNK, CHUNK), :],
            o_sem.at[b],
        )

    def out_wait(b):
        pltpu.make_async_copy(
            g_v.at[b], out_hbm.at[pl.ds(0, CHUNK), :], o_sem.at[b]
        ).wait()

    def bias_init(c, b):
        off = lax.rem(c, CHUNKS_PER_SEQ) * CHUNK
        pltpu.sync_copy(bias_sh.at[pl.ds(off, CHUNK), :], g_v.at[b])

    bias_init(0, 0)
    gather_start(0, 0)
    bias_init(1, 1)
    gather_start(1, 1)

    def iter_body(i, carry):
        for b in range(NBUF):
            c = i * NBUF + b
            gather_wait(c, b)
            out_start(c, b)
            b2 = (b + 2) % NBUF
            c2 = c + 2

            @pl.when(c2 < NCHUNK)
            def _():
                @pl.when(c >= 2)
                def _():
                    out_wait(b2)

                bias_init(c2, b2)
                gather_start(c2, b2)
        return carry

    lax.fori_loop(0, NCHUNK // NBUF, iter_body, 0)
    for b in range(NBUF):
        out_wait(b)


@jax.jit
def _run(ids2d, word_emb, bias):
    mesh = plsc.VectorSubcoreMesh(core_axis_name="c", subcore_axis_name="s")
    kfn = pl.kernel(
        _sc_body,
        out_type=jax.ShapeDtypeStruct((ROWS, D), jnp.float32),
        mesh=mesh,
        scratch_types=[
            pltpu.VMEM((NCHUNK * SPLIT, CHUNK // SPLIT), jnp.int32),
            pltpu.VMEM_SHARED((SEQ_LEN, D), jnp.float32),
            pltpu.VMEM((NBUF, CHUNK, D), jnp.float32),
            pltpu.SemaphoreType.DMA((NBUF,)),
            pltpu.SemaphoreType.DMA((NBUF,)),
        ],
    )
    return kfn(ids2d, word_emb, bias)


def kernel(paragraph_ids, question_ids, word_emb, type_emb, pos_emb):
    Bq, Lp = paragraph_ids.shape
    Lq = question_ids.shape[1]
    dt = paragraph_ids.dtype
    cls_col = jnp.full((Bq, 1), CLS_ID, dtype=dt)
    sep_col = jnp.full((Bq, 1), SEP_ID, dtype=dt)
    pad_blk = jnp.zeros((Bq, SEQ_LEN - REAL_LEN), dtype=dt)
    ids = jnp.concatenate(
        [cls_col, paragraph_ids, sep_col, question_ids, sep_col, pad_blk],
        axis=1,
    )
    ids2d = ids.reshape(ROWS // (CHUNK // SPLIT), CHUNK // SPLIT)

    t = jnp.arange(SEQ_LEN)
    type_idx = ((t >= 1 + Lp + 1) & (t < REAL_LEN)).astype(jnp.int32)
    bias = pos_emb + jnp.take(type_emb, type_idx, axis=0)
    bias = jnp.where((t < REAL_LEN)[:, None], bias, -word_emb[0][None, :])

    out = _run(ids2d, word_emb, bias)
    return out.reshape(B, SEQ_LEN, D)

# --- scband reference (transcript-rebuilt; emitter-appended) ---
"""Pipeline reference for scband-bert-input-processor-68066641707507 (READ-ONLY COPY).

The authoritative reference and input builder live on the scoring server;
editing this copy changes nothing except your own understanding.
"""

import jax, jax.numpy as jnp
import numpy as np

SEQ_LEN = 384
CLS_ID = 101
SEP_ID = 102
PAD_ID = 0


def setup_inputs(seed: int = 0) -> dict:
    key = jax.random.key(seed)
    k1, k2, k3, k4, k5 = jax.random.split(key, 5)
    B = 1024
    Lp = 256
    Lq = 96
    V = 30522
    D = 128
    paragraph_ids = jax.random.randint(k1, (B, Lp), 999, V, dtype=jnp.int32)
    question_ids = jax.random.randint(k2, (B, Lq), 999, V, dtype=jnp.int32)
    word_emb = jax.random.normal(k3, (V, D), dtype=jnp.float32)
    type_emb = jax.random.normal(k4, (2, D), dtype=jnp.float32)
    pos_emb = jax.random.normal(k5, (SEQ_LEN, D), dtype=jnp.float32)
    return {
        "paragraph_ids": paragraph_ids,
        "question_ids": question_ids,
        "word_emb": word_emb,
        "type_emb": type_emb,
        "pos_emb": pos_emb,
    }


def _pack_inputs(paragraph_ids, question_ids):
    # Faithful translation of BertPackInputs for fixed-length segments:
    # [CLS] paragraph [SEP] question [SEP] then pad to SEQ_LEN.
    B, Lp = paragraph_ids.shape
    Lq = question_ids.shape[1]
    cls_col = jnp.full((B, 1), CLS_ID, dtype=paragraph_ids.dtype)
    sep_col = jnp.full((B, 1), SEP_ID, dtype=paragraph_ids.dtype)
    ids = jnp.concatenate([cls_col, paragraph_ids, sep_col, question_ids, sep_col], axis=1)
    L = ids.shape[1]
    pad = SEQ_LEN - L
    input_word_ids = jnp.pad(ids, ((0, 0), (0, pad)), constant_values=PAD_ID)
    seg_a_len = 1 + Lp + 1  # CLS + paragraph + SEP -> segment 0
    seg_b_len = Lq + 1      # question + SEP        -> segment 1
    input_type_ids = jnp.concatenate(
        [
            jnp.zeros((B, seg_a_len), dtype=jnp.int32),
            jnp.ones((B, seg_b_len), dtype=jnp.int32),
            jnp.zeros((B, pad), dtype=jnp.int32),
        ],
        axis=1,
    )
    input_mask = jnp.broadcast_to((jnp.arange(SEQ_LEN) < L).astype(jnp.int32), (B, SEQ_LEN))
    return input_word_ids, input_mask, input_type_ids


def reference(paragraph_ids, question_ids, word_emb, type_emb, pos_emb):
    input_word_ids, input_mask, input_type_ids = _pack_inputs(paragraph_ids, question_ids)
    # BERT embedding lookup over packed ids (word + segment + position)
    emb = jnp.take(word_emb, input_word_ids, axis=0)
    emb = emb + jnp.take(type_emb, input_type_ids, axis=0)
    emb = emb + pos_emb[None, :, :]
    emb = emb * input_mask[..., None].astype(emb.dtype)
    return emb

if __name__ == "__main__":
    import jax
    _d = setup_inputs()
    print(jax.jit(kernel)(*tuple(_d.values())))

</pallas_src>

<mosaic_0001>
#map = affine_map<(d0, d1) -> (0, 0)>
module attributes {stable_mosaic.version = 14 : i64} {
  func.func @_sc_body(%arg0: i32, %arg1: i32, %arg2: memref<6144x64xi32, #tpu.memory_space<hbm>>, %arg3: memref<30522x128xf32, #tpu.memory_space<hbm>>, %arg4: memref<384x128xf32, #tpu.memory_space<hbm>>, %arg5: memref<393216x128xf32, #tpu.memory_space<hbm>>, %arg6: memref<192x64xi32, #tpu.memory_space<vmem>>, %arg7: memref<384x128xf32, #tpu.memory_space<vmem_shared>>, %arg8: memref<4x128x128xf32, #tpu.memory_space<vmem>>, %arg9: memref<4x!tpu.dma_semaphore, #tpu.memory_space<semaphore_mem>>, %arg10: memref<4x!tpu.dma_semaphore, #tpu.memory_space<semaphore_mem>>) attributes {dimension_semantics = [#tpu.dimension_semantics<core_parallel>, #tpu.dimension_semantics<subcore_parallel>], iteration_bounds = array<i64: 2, 16>, scalar_prefetch = 0 : i64, scratch_operands = 5 : i64, tpu.core_type = #tpu.core_type<sc_vector_subcore>, window_params = [{transform_indices = #map}, {transform_indices = #map}, {transform_indices = #map}, {transform_indices = #map}]} {
    %mul3A = arith.constant 2 : i32
    %mul3A_0 = arith.muli %arg1, %mul3A : i32
    %add3A = arith.addi %mul3A_0, %arg0 : i32
    %mul3A_1 = arith.constant 96 : i32
    %mul3A_2 = arith.muli %add3A, %mul3A_1 : i32
    %mul3A_3 = arith.constant 2 : i32
    %mul3A_4 = arith.muli %mul3A_2, %mul3A_3 : i32
    "tpu.region"() ({
      %run_scoped3A_152 = tpu.sem_alloc : memref<!tpu.dma_semaphore, #tpu.memory_space<semaphore_mem>>
      %dma_start3A_153 = arith.constant 0 : i32
      %dma_start3A_154 = tpu.memref_slice %arg2[%mul3A_4, %dma_start3A_153] : memref<6144x64xi32, #tpu.memory_space<hbm>> -> memref<192x64xi32, #tpu.memory_space<hbm>>
      %dma_start3A_155 = arith.constant 0 : i32
      %dma_start3A_156 = tpu.memref_slice %arg2[%mul3A_4, %dma_start3A_155] : memref<6144x64xi32, #tpu.memory_space<hbm>> -> memref<192x64xi32, #tpu.memory_space<hbm>>
      tpu.enqueue_dma source(%dma_start3A_156 : memref<192x64xi32, #tpu.memory_space<hbm>>) target(%arg6 : memref<192x64xi32, #tpu.memory_space<vmem>>) target_semaphore(%run_scoped3A_152 : memref<!tpu.dma_semaphore, #tpu.memory_space<semaphore_mem>>)
      %dma_wait3A_157 = arith.constant 0 : i32
      %dma_wait3A_158 = tpu.memref_slice %arg2[%mul3A_4, %dma_wait3A_157] : memref<6144x64xi32, #tpu.memory_space<hbm>> -> memref<192x64xi32, #tpu.memory_space<hbm>>
      %dma_wait3A_159 = arith.constant 0 : i32
      %dma_wait3A_160 = tpu.memref_slice %arg2[%mul3A_4, %dma_wait3A_159] : memref<6144x64xi32, #tpu.memory_space<hbm>> -> memref<192x64xi32, #tpu.memory_space<hbm>>
      tpu.wait_dma2 semaphore(%run_scoped3A_152 : memref<!tpu.dma_semaphore, #tpu.memory_space<semaphore_mem>>) src(%dma_wait3A_160 : memref<192x64xi32, #tpu.memory_space<hbm>>) dst(%arg6 : memref<192x64xi32, #tpu.memory_space<vmem>>)
      tpu.yield
    }) : () -> ()
    %eq3A = arith.constant 0 : i32
    %eq3A_5 = arith.cmpi eq, %arg1, %eq3A : i32
    %convert_element_type3A = arith.extui %eq3A_5 : i1 to i32
    %cond3A = arith.constant 0 : i32
    %cond3A_6 = arith.cmpi ne, %convert_element_type3A, %cond3A : i32
    scf.if %cond3A_6 {
      "tpu.region"() ({
        %run_scoped3A_152 = tpu.sem_alloc : memref<!tpu.dma_semaphore, #tpu.memory_space<semaphore_mem>>
        tpu.enqueue_dma source(%arg4 : memref<384x128xf32, #tpu.memory_space<hbm>>) target(%arg7 : memref<384x128xf32, #tpu.memory_space<vmem_shared>>) target_semaphore(%run_scoped3A_152 : memref<!tpu.dma_semaphore, #tpu.memory_space<semaphore_mem>>)
        tpu.wait_dma2 semaphore(%run_scoped3A_152 : memref<!tpu.dma_semaphore, #tpu.memory_space<semaphore_mem>>) src(%arg4 : memref<384x128xf32, #tpu.memory_space<hbm>>) dst(%arg7 : memref<384x128xf32, #tpu.memory_space<vmem_shared>>)
        tpu.yield
      }) : () -> ()
    } else {
    }
    %barrier3A = arith.constant 0 : index
    tpu.barrier barrier_id(%barrier3A)
    %rem3A = arith.constant 0 : i32
    %rem3A_7 = arith.constant 3 : i32
    %rem3A_8 = arith.remsi %rem3A, %rem3A_7 : i32
    %mul3A_9 = arith.constant 128 : i32
    %mul3A_10 = arith.muli %rem3A_8, %mul3A_9 : i32
    %run_scoped3A = arith.constant 0 : i32
    "tpu.region"() ({
      %run_scoped3A_152 = tpu.sem_alloc : memref<!tpu.dma_semaphore, #tpu.memory_space<semaphore_mem>>
      %dma_start3A_153 = arith.constant 0 : i32
      %dma_start3A_154 = arith.constant 0 : i32
      %dma_start3A_155 = tpu.memref_slice %arg8[%run_scoped3A, %dma_start3A_153, %dma_start3A_154] : memref<4x128x128xf32, #tpu.memory_space<vmem>> -> memref<1x128x128xf32, #tpu.memory_space<vmem>>
      %dma_start3A_156 = tpu.memref_squeeze %dma_start3A_155 : memref<1x128x128xf32, #tpu.memory_space<vmem>> -> memref<128x128xf32, #tpu.memory_space<vmem>>
      %dma_start3A_157 = arith.constant 0 : i32
      %dma_start3A_158 = tpu.memref_slice %arg7[%mul3A_10, %dma_start3A_157] : memref<384x128xf32, #tpu.memory_space<vmem_shared>> -> memref<128x128xf32, #tpu.memory_space<vmem_shared>>
      %dma_start3A_159 = arith.constant 0 : i32
      %dma_start3A_160 = arith.constant 0 : i32
      %dma_start3A_161 = tpu.memref_slice %arg8[%run_scoped3A, %dma_start3A_159, %dma_start3A_160] : memref<4x128x128xf32, #tpu.memory_space<vmem>> -> memref<1x128x128xf32, #tpu.memory_space<vmem>>
      %dma_start3A_162 = tpu.memref_squeeze %dma_start3A_161 : memref<1x128x128xf32, #tpu.memory_space<vmem>> -> memref<128x128xf32, #tpu.memory_space<vmem>>
      %dma_start3A_163 = arith.constant 0 : i32
      %dma_start3A_164 = tpu.memref_slice %arg7[%mul3A_10, %dma_start3A_163] : memref<384x128xf32, #tpu.memory_space<vmem_shared>> -> memref<128x128xf32, #tpu.memory_space<vmem_shared>>
      tpu.enqueue_dma source(%dma_start3A_164 : memref<128x128xf32, #tpu.memory_space<vmem_shared>>) target(%dma_start3A_162 : memref<128x128xf32, #tpu.memory_space<vmem>>) target_semaphore(%run_scoped3A_152 : memref<!tpu.dma_semaphore, #tpu.memory_space<semaphore_mem>>)
      %dma_wait3A_165 = arith.constant 0 : i32
      %dma_wait3A_166 = arith.constant 0 : i32
      %dma_wait3A_167 = tpu.memref_slice %arg8[%run_scoped3A, %dma_wait3A_165, %dma_wait3A_166] : memref<4x128x128xf32, #tpu.memory_space<vmem>> -> memref<1x128x128xf32, #tpu.memory_space<vmem>>
      %dma_wait3A_168 = tpu.memref_squeeze %dma_wait3A_167 : memref<1x128x128xf32, #tpu.memory_space<vmem>> -> memref<128x128xf32, #tpu.memory_space<vmem>>
      %dma_wait3A_169 = arith.constant 0 : i32
      %dma_wait3A_170 = tpu.memref_slice %arg7[%mul3A_10, %dma_wait3A_169] : memref<384x128xf32, #tpu.memory_space<vmem_shared>> -> memref<128x128xf32, #tpu.memory_space<vmem_shared>>
      %dma_wait3A_171 = arith.constant 0 : i32
      %dma_wait3A_172 = arith.constant 0 : i32
      %dma_wait3A_173 = tpu.memref_slice %arg8[%run_scoped3A, %dma_wait3A_171, %dma_wait3A_172] : memref<4x128x128xf32, #tpu.memory_space<vmem>> -> memref<1x128x128xf32, #tpu.memory_space<vmem>>
      %dma_wait3A_174 = tpu.memref_squeeze %dma_wait3A_173 : memref<1x128x128xf32, #tpu.memory_space<vmem>> -> memref<128x128xf32, #tpu.memory_space<vmem>>
      %dma_wait3A_175 = arith.constant 0 : i32
      %dma_wait3A_176 = tpu.memref_slice %arg7[%mul3A_10, %dma_wait3A_175] : memref<384x128xf32, #tpu.memory_space<vmem_shared>> -> memref<128x128xf32, #tpu.memory_space<vmem_shared>>
      tpu.wait_dma2 semaphore(%run_scoped3A_152 : memref<!tpu.dma_semaphore, #tpu.memory_space<semaphore_mem>>) src(%dma_wait3A_176 : memref<128x128xf32, #tpu.memory_space<vmem_shared>>) dst(%dma_wait3A_174 : memref<128x128xf32, #tpu.memory_space<vmem>>)
      tpu.yield
    }) : () -> ()
    %dma_start3A = arith.constant 0 : i32
    %dma_start3A_11 = arith.constant 0 : i32
    %dma_start3A_12 = arith.constant 0 : i32
    %dma_start3A_13 = arith.constant 0 : i32
    %dma_start3A_14 = arith.constant 0 : i32
    %dma_start3A_15 = tpu.memref_slice %arg8[%dma_start3A_11, %dma_start3A_13, %dma_start3A_14] : memref<4x128x128xf32, #tpu.memory_space<vmem>> -> memref<1x64x128xf32, #tpu.memory_space<vmem>>
    %dma_start3A_16 = tpu.memref_squeeze %dma_start3A_15 : memref<1x64x128xf32, #tpu.memory_space<vmem>> -> memref<64x128xf32, #tpu.memory_space<vmem>>
    %dma_start3A_17 = arith.constant 0 : i32
    %dma_start3A_18 = tpu.memref_slice %arg6[%dma_start3A, %dma_start3A_17] : memref<192x64xi32, #tpu.memory_space<vmem>> -> memref<1x64xi32, #tpu.memory_space<vmem>>
    %dma_start3A_19 = tpu.memref_squeeze %dma_start3A_18 : memref<1x64xi32, #tpu.memory_space<vmem>> -> memref<64xi32, #tpu.memory_space<vmem>>
    %dma_start3A_20 = arith.constant 0 : i32
    %dma_start3A_21 = arith.constant 0 : i32
    %dma_start3A_22 = tpu.memref_slice %arg3[%dma_start3A_20, %dma_start3A_21] : memref<30522x128xf32, #tpu.memory_space<hbm>> -> memref<30522x128xf32, #tpu.memory_space<hbm>>
    %dma_start3A_23 = tpu.memref_slice %arg9[%dma_start3A_12] : memref<4x!tpu.dma_semaphore, #tpu.memory_space<semaphore_mem>> -> memref<1x!tpu.dma_semaphore, #tpu.memory_space<semaphore_mem>>
    %dma_start3A_24 = tpu.memref_squeeze %dma_start3A_23 : memref<1x!tpu.dma_semaphore, #tpu.memory_space<semaphore_mem>> -> memref<!tpu.dma_semaphore, #tpu.memory_space<semaphore_mem>>
    tpu.enqueue_indirect_dma source(%dma_start3A_22 : memref<30522x128xf32, #tpu.memory_space<hbm>>) target(%dma_start3A_16 : memref<64x128xf32, #tpu.memory_space<vmem>>) offsets(%dma_start3A_19 : memref<64xi32, #tpu.memory_space<vmem>>) semaphore(%dma_start3A_24 : memref<!tpu.dma_semaphore, #tpu.memory_space<semaphore_mem>>) {add = true}
    %dma_start3A_25 = arith.constant 1 : i32
    %dma_start3A_26 = arith.constant 0 : i32
    %dma_start3A_27 = arith.constant 0 : i32
    %dma_start3A_28 = arith.constant 64 : i32
    %dma_start3A_29 = arith.constant 0 : i32
    %dma_start3A_30 = tpu.memref_slice %arg8[%dma_start3A_26, %dma_start3A_28, %dma_start3A_29] : memref<4x128x128xf32, #tpu.memory_space<vmem>> -> memref<1x64x128xf32, #tpu.memory_space<vmem>>
    %dma_start3A_31 = tpu.memref_squeeze %dma_start3A_30 : memref<1x64x128xf32, #tpu.memory_space<vmem>> -> memref<64x128xf32, #tpu.memory_space<vmem>>
    %dma_start3A_32 = arith.constant 0 : i32
    %dma_start3A_33 = tpu.memref_slice %arg6[%dma_start3A_25, %dma_start3A_32] : memref<192x64xi32, #tpu.memory_space<vmem>> -> memref<1x64xi32, #tpu.memory_space<vmem>>
    %dma_start3A_34 = tpu.memref_squeeze %dma_start3A_33 : memref<1x64xi32, #tpu.memory_space<vmem>> -> memref<64xi32, #tpu.memory_space<vmem>>
    %dma_start3A_35 = arith.constant 0 : i32
    %dma_start3A_36 = arith.constant 0 : i32
    %dma_start3A_37 = tpu.memref_slice %arg3[%dma_start3A_35, %dma_start3A_36] : memref<30522x128xf32, #tpu.memory_space<hbm>> -> memref<30522x128xf32, #tpu.memory_space<hbm>>
    %dma_start3A_38 = tpu.memref_slice %arg9[%dma_start3A_27] : memref<4x!tpu.dma_semaphore, #tpu.memory_space<semaphore_mem>> -> memref<1x!tpu.dma_semaphore, #tpu.memory_space<semaphore_mem>>
    %dma_start3A_39 = tpu.memref_squeeze %dma_start3A_38 : memref<1x!tpu.dma_semaphore, #tpu.memory_space<semaphore_mem>> -> memref<!tpu.dma_semaphore, #tpu.memory_space<semaphore_mem>>
    tpu.enqueue_indirect_dma source(%dma_start3A_37 : memref<30522x128xf32, #tpu.memory_space<hbm>>) target(%dma_start3A_31 : memref<64x128xf32, #tpu.memory_space<vmem>>) offsets(%dma_start3A_34 : memref<64xi32, #tpu.memory_space<vmem>>) semaphore(%dma_start3A_39 : memref<!tpu.dma_semaphore, #tpu.memory_space<semaphore_mem>>) {add = true}
    %rem3A_40 = arith.constant 1 : i32
    %rem3A_41 = arith.constant 3 : i32
    %rem3A_42 = arith.remsi %rem3A_40, %rem3A_41 : i32
    %mul3A_43 = arith.constant 128 : i32
    %mul3A_44 = arith.muli %rem3A_42, %mul3A_43 : i32
    %run_scoped3A_45 = arith.constant 1 : i32
    "tpu.region"() ({
      %run_scoped3A_152 = tpu.sem_alloc : memref<!tpu.dma_semaphore, #tpu.memory_space<semaphore_mem>>
      %dma_start3A_153 = arith.constant 0 : i32
      %dma_start3A_154 = arith.constant 0 : i32
      %dma_start3A_155 = tpu.memref_slice %arg8[%run_scoped3A_45, %dma_start3A_153, %dma_start3A_154] : memref<4x128x128xf32, #tpu.memory_space<vmem>> -> memref<1x128x128xf32, #tpu.memory_space<vmem>>
      %dma_start3A_156 = tpu.memref_squeeze %dma_start3A_155 : memref<1x128x128xf32, #tpu.memory_space<vmem>> -> memref<128x128xf32, #tpu.memory_space<vmem>>
      %dma_start3A_157 = arith.constant 0 : i32
      %dma_start3A_158 = tpu.memref_slice %arg7[%mul3A_44, %dma_start3A_157] : memref<384x128xf32, #tpu.memory_space<vmem_shared>> -> memref<128x128xf32, #tpu.memory_space<vmem_shared>>
      %dma_start3A_159 = arith.constant 0 : i32
      %dma_start3A_160 = arith.constant 0 : i32
      %dma_start3A_161 = tpu.memref_slice %arg8[%run_scoped3A_45, %dma_start3A_159, %dma_start3A_160] : memref<4x128x128xf32, #tpu.memory_space<vmem>> -> memref<1x128x128xf32, #tpu.memory_space<vmem>>
      %dma_start3A_162 = tpu.memref_squeeze %dma_start3A_161 : memref<1x128x128xf32, #tpu.memory_space<vmem>> -> memref<128x128xf32, #tpu.memory_space<vmem>>
      %dma_start3A_163 = arith.constant 0 : i32
      %dma_start3A_164 = tpu.memref_slice %arg7[%mul3A_44, %dma_start3A_163] : memref<384x128xf32, #tpu.memory_space<vmem_shared>> -> memref<128x128xf32, #tpu.memory_space<vmem_shared>>
      tpu.enqueue_dma source(%dma_start3A_164 : memref<128x128xf32, #tpu.memory_space<vmem_shared>>) target(%dma_start3A_162 : memref<128x128xf32, #tpu.memory_space<vmem>>) target_semaphore(%run_scoped3A_152 : memref<!tpu.dma_semaphore, #tpu.memory_space<semaphore_mem>>)
      %dma_wait3A_165 = arith.constant 0 : i32
      %dma_wait3A_166 = arith.constant 0 : i32
      %dma_wait3A_167 = tpu.memref_slice %arg8[%run_scoped3A_45, %dma_wait3A_165, %dma_wait3A_166] : memref<4x128x128xf32, #tpu.memory_space<vmem>> -> memref<1x128x128xf32, #tpu.memory_space<vmem>>
      %dma_wait3A_168 = tpu.memref_squeeze %dma_wait3A_167 : memref<1x128x128xf32, #tpu.memory_space<vmem>> -> memref<128x128xf32, #tpu.memory_space<vmem>>
      %dma_wait3A_169 = arith.constant 0 : i32
      %dma_wait3A_170 = tpu.memref_slice %arg7[%mul3A_44, %dma_wait3A_169] : memref<384x128xf32, #tpu.memory_space<vmem_shared>> -> memref<128x128xf32, #tpu.memory_space<vmem_shared>>
      %dma_wait3A_171 = arith.constant 0 : i32
      %dma_wait3A_172 = arith.constant 0 : i32
      %dma_wait3A_173 = tpu.memref_slice %arg8[%run_scoped3A_45, %dma_wait3A_171, %dma_wait3A_172] : memref<4x128x128xf32, #tpu.memory_space<vmem>> -> memref<1x128x128xf32, #tpu.memory_space<vmem>>
      %dma_wait3A_174 = tpu.memref_squeeze %dma_wait3A_173 : memref<1x128x128xf32, #tpu.memory_space<vmem>> -> memref<128x128xf32, #tpu.memory_space<vmem>>
      %dma_wait3A_175 = arith.constant 0 : i32
      %dma_wait3A_176 = tpu.memref_slice %arg7[%mul3A_44, %dma_wait3A_175] : memref<384x128xf32, #tpu.memory_space<vmem_shared>> -> memref<128x128xf32, #tpu.memory_space<vmem_shared>>
      tpu.wait_dma2 semaphore(%run_scoped3A_152 : memref<!tpu.dma_semaphore, #tpu.memory_space<semaphore_mem>>) src(%dma_wait3A_176 : memref<128x128xf32, #tpu.memory_space<vmem_shared>>) dst(%dma_wait3A_174 : memref<128x128xf32, #tpu.memory_space<vmem>>)
      tpu.yield
    }) : () -> ()
    %dma_start3A_46 = arith.constant 2 : i32
    %dma_start3A_47 = arith.constant 1 : i32
    %dma_start3A_48 = arith.constant 1 : i32
    %dma_start3A_49 = arith.constant 0 : i32
    %dma_start3A_50 = arith.constant 0 : i32
    %dma_start3A_51 = tpu.memref_slice %arg8[%dma_start3A_47, %dma_start3A_49, %dma_start3A_50] : memref<4x128x128xf32, #tpu.memory_space<vmem>> -> memref<1x64x128xf32, #tpu.memory_space<vmem>>
    %dma_start3A_52 = tpu.memref_squeeze %dma_start3A_51 : memref<1x64x128xf32, #tpu.memory_space<vmem>> -> memref<64x128xf32, #tpu.memory_space<vmem>>
    %dma_start3A_53 = arith.constant 0 : i32
    %dma_start3A_54 = tpu.memref_slice %arg6[%dma_start3A_46, %dma_start3A_53] : memref<192x64xi32, #tpu.memory_space<vmem>> -> memref<1x64xi32, #tpu.memory_space<vmem>>
    %dma_start3A_55 = tpu.memref_squeeze %dma_start3A_54 : memref<1x64xi32, #tpu.memory_space<vmem>> -> memref<64xi32, #tpu.memory_space<vmem>>
    %dma_start3A_56 = arith.constant 0 : i32
    %dma_start3A_57 = arith.constant 0 : i32
    %dma_start3A_58 = tpu.memref_slice %arg3[%dma_start3A_56, %dma_start3A_57] : memref<30522x128xf32, #tpu.memory_space<hbm>> -> memref<30522x128xf32, #tpu.memory_space<hbm>>
    %dma_start3A_59 = tpu.memref_slice %arg9[%dma_start3A_48] : memref<4x!tpu.dma_semaphore, #tpu.memory_space<semaphore_mem>> -> memref<1x!tpu.dma_semaphore, #tpu.memory_space<semaphore_mem>>
    %dma_start3A_60 = tpu.memref_squeeze %dma_start3A_59 : memref<1x!tpu.dma_semaphore, #tpu.memory_space<semaphore_mem>> -> memref<!tpu.dma_semaphore, #tpu.memory_space<semaphore_mem>>
    tpu.enqueue_indirect_dma source(%dma_start3A_58 : memref<30522x128xf32, #tpu.memory_space<hbm>>) target(%dma_start3A_52 : memref<64x128xf32, #tpu.memory_space<vmem>>) offsets(%dma_start3A_55 : memref<64xi32, #tpu.memory_space<vmem>>) semaphore(%dma_start3A_60 : memref<!tpu.dma_semaphore, #tpu.memory_space<semaphore_mem>>) {add = true}
    %dma_start3A_61 = arith.constant 3 : i32
    %dma_start3A_62 = arith.constant 1 : i32
    %dma_start3A_63 = arith.constant 1 : i32
    %dma_start3A_64 = arith.constant 64 : i32
    %dma_start3A_65 = arith.constant 0 : i32
    %dma_start3A_66 = tpu.memref_slice %arg8[%dma_start3A_62, %dma_start3A_64, %dma_start3A_65] : memref<4x128x128xf32, #tpu.memory_space<vmem>> -> memref<1x64x128xf32, #tpu.memory_space<vmem>>
    %dma_start3A_67 = tpu.memref_squeeze %dma_start3A_66 : memref<1x64x128xf32, #tpu.memory_space<vmem>> -> memref<64x128xf32, #tpu.memory_space<vmem>>
    %dma_start3A_68 = arith.constant 0 : i32
    %dma_start3A_69 = tpu.memref_slice %arg6[%dma_start3A_61, %dma_start3A_68] : memref<192x64xi32, #tpu.memory_space<vmem>> -> memref<1x64xi32, #tpu.memory_space<vmem>>
    %dma_start3A_70 = tpu.memref_squeeze %dma_start3A_69 : memref<1x64xi32, #tpu.memory_space<vmem>> -> memref<64xi32, #tpu.memory_space<vmem>>
    %dma_start3A_71 = arith.constant 0 : i32
    %dma_start3A_72 = arith.constant 0 : i32
    %dma_start3A_73 = tpu.memref_slice %arg3[%dma_start3A_71, %dma_start3A_72] : memref<30522x128xf32, #tpu.memory_space<hbm>> -> memref<30522x128xf32, #tpu.memory_space<hbm>>
    %dma_start3A_74 = tpu.memref_slice %arg9[%dma_start3A_63] : memref<4x!tpu.dma_semaphore, #tpu.memory_space<semaphore_mem>> -> memref<1x!tpu.dma_semaphore, #tpu.memory_space<semaphore_mem>>
    %dma_start3A_75 = tpu.memref_squeeze %dma_start3A_74 : memref<1x!tpu.dma_semaphore, #tpu.memory_space<semaphore_mem>> -> memref<!tpu.dma_semaphore, #tpu.memory_space<semaphore_mem>>
    tpu.enqueue_indirect_dma source(%dma_start3A_73 : memref<30522x128xf32, #tpu.memory_space<hbm>>) target(%dma_start3A_67 : memref<64x128xf32, #tpu.memory_space<vmem>>) offsets(%dma_start3A_70 : memref<64xi32, #tpu.memory_space<vmem>>) semaphore(%dma_start3A_75 : memref<!tpu.dma_semaphore, #tpu.memory_space<semaphore_mem>>) {add = true}
    %scan3A = arith.constant 0 : i32
    %scan3A_76 = arith.constant 0 : i32
    %scan3A_77 = arith.constant 24 : i32
    %scan3A_78 = arith.addi %scan3A_76, %scan3A_77 : i32
    %scan3A_79 = arith.constant 1 : i32
    scf.for %scan3A_152 = %scan3A_76 to %scan3A_78 step %scan3A_79  : i32 {
      %mul3A_153 = arith.constant 4 : i32
      %mul3A_154 = arith.muli %scan3A_152, %mul3A_153 : i32
      %add3A_155 = arith.constant 0 : i32
      %add3A_156 = arith.addi %mul3A_154, %add3A_155 : i32
      %mul3A_157 = arith.constant 2 : i32
      %mul3A_158 = arith.muli %add3A_156, %mul3A_157 : i32
      %add3A_159 = arith.constant 0 : i32
      %add3A_160 = arith.addi %mul3A_158, %add3A_159 : i32
      %dma_wait3A_161 = arith.constant 0 : i32
      %dma_wait3A_162 = arith.constant 0 : i32
      %dma_wait3A_163 = arith.constant 0 : i32
      %dma_wait3A_164 = arith.constant 0 : i32
      %dma_wait3A_165 = tpu.memref_slice %arg8[%dma_wait3A_161, %dma_wait3A_163, %dma_wait3A_164] : memref<4x128x128xf32, #tpu.memory_space<vmem>> -> memref<1x64x128xf32, #tpu.memory_space<vmem>>
      %dma_wait3A_166 = tpu.memref_squeeze %dma_wait3A_165 : memref<1x64x128xf32, #tpu.memory_space<vmem>> -> memref<64x128xf32, #tpu.memory_space<vmem>>
      %dma_wait3A_167 = arith.constant 0 : i32
      %dma_wait3A_168 = tpu.memref_slice %arg6[%add3A_160, %dma_wait3A_167] : memref<192x64xi32, #tpu.memory_space<vmem>> -> memref<1x64xi32, #tpu.memory_space<vmem>>
      %dma_wait3A_169 = tpu.memref_squeeze %dma_wait3A_168 : memref<1x64xi32, #tpu.memory_space<vmem>> -> memref<64xi32, #tpu.memory_space<vmem>>
      %dma_wait3A_170 = arith.constant 0 : i32
      %dma_wait3A_171 = arith.constant 0 : i32
      %dma_wait3A_172 = tpu.memref_slice %arg3[%dma_wait3A_170, %dma_wait3A_171] : memref<30522x128xf32, #tpu.memory_space<hbm>> -> memref<30522x128xf32, #tpu.memory_space<hbm>>
      %dma_wait3A_173 = tpu.memref_slice %arg9[%dma_wait3A_162] : memref<4x!tpu.dma_semaphore, #tpu.memory_space<semaphore_mem>> -> memref<1x!tpu.dma_semaphore, #tpu.memory_space<semaphore_mem>>
      %dma_wait3A_174 = tpu.memref_squeeze %dma_wait3A_173 : memref<1x!tpu.dma_semaphore, #tpu.memory_space<semaphore_mem>> -> memref<!tpu.dma_semaphore, #tpu.memory_space<semaphore_mem>>
      tpu.wait_indirect_dma semaphore(%dma_wait3A_174 : memref<!tpu.dma_semaphore, #tpu.memory_space<semaphore_mem>>) src(%dma_wait3A_172 : memref<30522x128xf32, #tpu.memory_space<hbm>>) dst(%dma_wait3A_166 : memref<64x128xf32, #tpu.memory_space<vmem>>)
      %mul3A_175 = arith.constant 2 : i32
      %mul3A_176 = arith.muli %add3A_156, %mul3A_175 : i32
      %add3A_177 = arith.constant 1 : i32
      %add3A_178 = arith.addi %mul3A_176, %add3A_177 : i32
      %dma_wait3A_179 = arith.constant 0 : i32
      %dma_wait3A_180 = arith.constant 0 : i32
      %dma_wait3A_181 = arith.constant 64 : i32
      %dma_wait3A_182 = arith.constant 0 : i32
      %dma_wait3A_183 = tpu.memref_slice %arg8[%dma_wait3A_179, %dma_wait3A_181, %dma_wait3A_182] : memref<4x128x128xf32, #tpu.memory_space<vmem>> -> memref<1x64x128xf32, #tpu.memory_space<vmem>>
      %dma_wait3A_184 = tpu.memref_squeeze %dma_wait3A_183 : memref<1x64x128xf32, #tpu.memory_space<vmem>> -> memref<64x128xf32, #tpu.memory_space<vmem>>
      %dma_wait3A_185 = arith.constant 0 : i32
      %dma_wait3A_186 = tpu.memref_slice %arg6[%add3A_178, %dma_wait3A_185] : memref<192x64xi32, #tpu.memory_space<vmem>> -> memref<1x64xi32, #tpu.memory_space<vmem>>
      %dma_wait3A_187 = tpu.memref_squeeze %dma_wait3A_186 : memref<1x64xi32, #tpu.memory_space<vmem>> -> memref<64xi32, #tpu.memory_space<vmem>>
      %dma_wait3A_188 = arith.constant 0 : i32
      %dma_wait3A_189 = arith.constant 0 : i32
      %dma_wait3A_190 = tpu.memref_slice %arg3[%dma_wait3A_188, %dma_wait3A_189] : memref<30522x128xf32, #tpu.memory_space<hbm>> -> memref<30522x128xf32, #tpu.memory_space<hbm>>
      %dma_wait3A_191 = tpu.memref_slice %arg9[%dma_wait3A_180] : memref<4x!tpu.dma_semaphore, #tpu.memory_space<semaphore_mem>> -> memref<1x!tpu.dma_semaphore, #tpu.memory_space<semaphore_mem>>
      %dma_wait3A_192 = tpu.memref_squeeze %dma_wait3A_191 : memref<1x!tpu.dma_semaphore, #tpu.memory_space<semaphore_mem>> -> memref<!tpu.dma_semaphore, #tpu.memory_space<semaphore_mem>>
      tpu.wait_indirect_dma semaphore(%dma_wait3A_192 : memref<!tpu.dma_semaphore, #tpu.memory_space<semaphore_mem>>) src(%dma_wait3A_190 : memref<30522x128xf32, #tpu.memory_space<hbm>>) dst(%dma_wait3A_184 : memref<64x128xf32, #tpu.memory_space<vmem>>)
      %add3A_193 = arith.addi %mul3A_2, %add3A_156 : i32
      %mul3A_194 = arith.constant 128 : i32
      %mul3A_195 = arith.muli %add3A_193, %mul3A_194 : i32
      %dma_start3A_196 = arith.constant 0 : i32
      %dma_start3A_197 = arith.constant 0 : i32
      %dma_start3A_198 = arith.constant 0 : i32
      %dma_start3A_199 = arith.constant 0 : i32
      %dma_start3A_200 = tpu.memref_slice %arg8[%dma_start3A_196, %dma_start3A_198, %dma_start3A_199] : memref<4x128x128xf32, #tpu.memory_space<vmem>> -> memref<1x128x128xf32, #tpu.memory_space<vmem>>
      %dma_start3A_201 = tpu.memref_squeeze %dma_start3A_200 : memref<1x128x128xf32, #tpu.memory_space<vmem>> -> memref<128x128xf32, #tpu.memory_space<vmem>>
      %dma_start3A_202 = arith.constant 0 : i32
      %dma_start3A_203 = tpu.memref_slice %arg5[%mul3A_195, %dma_start3A_202] : memref<393216x128xf32, #tpu.memory_space<hbm>> -> memref<128x128xf32, #tpu.memory_space<hbm>>
      %dma_start3A_204 = tpu.memref_slice %arg10[%dma_start3A_197] : memref<4x!tpu.dma_semaphore, #tpu.memory_space<semaphore_mem>> -> memref<1x!tpu.dma_semaphore, #tpu.memory_space<semaphore_mem>>
      %dma_start3A_205 = tpu.memref_squeeze %dma_start3A_204 : memref<1x!tpu.dma_semaphore, #tpu.memory_space<semaphore_mem>> -> memref<!tpu.dma_semaphore, #tpu.memory_space<semaphore_mem>>
      %dma_start3A_206 = arith.constant 0 : i32
      %dma_start3A_207 = tpu.memref_slice %arg5[%mul3A_195, %dma_start3A_206] : memref<393216x128xf32, #tpu.memory_space<hbm>> -> memref<128x128xf32, #tpu.memory_space<hbm>>
      %dma_start3A_208 = arith.constant 0 : i32
      %dma_start3A_209 = arith.constant 0 : i32
      %dma_start3A_210 = tpu.memref_slice %arg8[%dma_start3A_196, %dma_start3A_208, %dma_start3A_209] : memref<4x128x128xf32, #tpu.memory_space<vmem>> -> memref<1x128x128xf32, #tpu.memory_space<vmem>>
      %dma_start3A_211 = tpu.memref_squeeze %dma_start3A_210 : memref<1x128x128xf32, #tpu.memory_space<vmem>> -> memref<128x128xf32, #tpu.memory_space<vmem>>
      tpu.enqueue_dma source(%dma_start3A_211 : memref<128x128xf32, #tpu.memory_space<vmem>>) target(%dma_start3A_207 : memref<128x128xf32, #tpu.memory_space<hbm>>) target_semaphore(%dma_start3A_205 : memref<!tpu.dma_semaphore, #tpu.memory_space<semaphore_mem>>)
      %add3A_212 = arith.constant 2 : i32
      %add3A_213 = arith.addi %add3A_156, %add3A_212 : i32
      %lt3A = arith.constant 96 : i32
      %lt3A_214 = arith.cmpi slt, %add3A_213, %lt3A : i32
      %convert_element_type3A_215 = arith.extui %lt3A_214 : i1 to i32
      %cond3A_216 = arith.constant 0 : i32
      %cond3A_217 = arith.cmpi ne, %convert_element_type3A_215, %cond3A_216 : i32
      scf.if %cond3A_217 {
        %ge3A = arith.constant 2 : i32
        %ge3A_416 = arith.cmpi sge, %add3A_156, %ge3A : i32
        %convert_element_type3A_417 = arith.extui %ge3A_416 : i1 to i32
        %cond3A_418 = arith.constant 0 : i32
        %cond3A_419 = arith.cmpi ne, %convert_element_type3A_417, %cond3A_418 : i32
        scf.if %cond3A_419 {
          %dma_wait3A_461 = arith.constant 2 : i32
          %dma_wait3A_462 = arith.constant 2 : i32
          %dma_wait3A_463 = arith.constant 0 : i32
          %dma_wait3A_464 = arith.constant 0 : i32
          %dma_wait3A_465 = tpu.memref_slice %arg8[%dma_wait3A_461, %dma_wait3A_463, %dma_wait3A_464] : memref<4x128x128xf32, #tpu.memory_space<vmem>> -> memref<1x128x128xf32, #tpu.memory_space<vmem>>
          %dma_wait3A_466 = tpu.memref_squeeze %dma_wait3A_465 : memref<1x128x128xf32, #tpu.memory_space<vmem>> -> memref<128x128xf32, #tpu.memory_space<vmem>>
          %dma_wait3A_467 = arith.constant 0 : i32
          %dma_wait3A_468 = arith.constant 0 : i32
          %dma_wait3A_469 = tpu.memref_slice %arg5[%dma_wait3A_467, %dma_wait3A_468] : memref<393216x128xf32, #tpu.memory_space<hbm>> -> memref<128x128xf32, #tpu.memory_space<hbm>>
          %dma_wait3A_470 = tpu.memref_slice %arg10[%dma_wait3A_462] : memref<4x!tpu.dma_semaphore, #tpu.memory_space<semaphore_mem>> -> memref<1x!tpu.dma_semaphore, #tpu.memory_space<semaphore_mem>>
          %dma_wait3A_471 = tpu.memref_squeeze %dma_wait3A_470 : memref<1x!tpu.dma_semaphore, #tpu.memory_space<semaphore_mem>> -> memref<!tpu.dma_semaphore, #tpu.memory_space<semaphore_mem>>
          %dma_wait3A_472 = arith.constant 0 : i32
          %dma_wait3A_473 = arith.constant 0 : i32
          %dma_wait3A_474 = tpu.memref_slice %arg5[%dma_wait3A_472, %dma_wait3A_473] : memref<393216x128xf32, #tpu.memory_space<hbm>> -> memref<128x128xf32, #tpu.memory_space<hbm>>
          %dma_wait3A_475 = arith.constant 0 : i32
          %dma_wait3A_476 = arith.constant 0 : i32
          %dma_wait3A_477 = tpu.memref_slice %arg8[%dma_wait3A_461, %dma_wait3A_475, %dma_wait3A_476] : memref<4x128x128xf32, #tpu.memory_space<vmem>> -> memref<1x128x128xf32, #tpu.memory_space<vmem>>
          %dma_wait3A_478 = tpu.memref_squeeze %dma_wait3A_477 : memref<1x128x128xf32, #tpu.memory_space<vmem>> -> memref<128x128xf32, #tpu.memory_space<vmem>>
          tpu.wait_dma2 semaphore(%dma_wait3A_471 : memref<!tpu.dma_semaphore, #tpu.memory_space<semaphore_mem>>) src(%dma_wait3A_478 : memref<128x128xf32, #tpu.memory_space<vmem>>) dst(%dma_wait3A_474 : memref<128x128xf32, #tpu.memory_space<hbm>>)
        } else {
        }
        %rem3A_420 = arith.constant 3 : i32
        %rem3A_421 = arith.remsi %add3A_213, %rem3A_420 : i32
        %mul3A_422 = arith.constant 128 : i32
        %mul3A_423 = arith.muli %rem3A_421, %mul3A_422 : i32
        %run_scoped3A_424 = arith.constant 2 : i32
        "tpu.region"() ({
          %run_scoped3A_461 = tpu.sem_alloc : memref<!tpu.dma_semaphore, #tpu.memory_space<semaphore_mem>>
          %dma_start3A_462 = arith.constant 0 : i32
          %dma_start3A_463 = arith.constant 0 : i32
          %dma_start3A_464 = tpu.memref_slice %arg8[%run_scoped3A_424, %dma_start3A_462, %dma_start3A_463] : memref<4x128x128xf32, #tpu.memory_space<vmem>> -> memref<1x128x128xf32, #tpu.memory_space<vmem>>
          %dma_start3A_465 = tpu.memref_squeeze %dma_start3A_464 : memref<1x128x128xf32, #tpu.memory_space<vmem>> -> memref<128x128xf32, #tpu.memory_space<vmem>>
          %dma_start3A_466 = arith.constant 0 : i32
          %dma_start3A_467 = tpu.memref_slice %arg7[%mul3A_423, %dma_start3A_466] : memref<384x128xf32, #tpu.memory_space<vmem_shared>> -> memref<128x128xf32, #tpu.memory_space<vmem_shared>>
          %dma_start3A_468 = arith.constant 0 : i32
          %dma_start3A_469 = arith.constant 0 : i32
          %dma_start3A_470 = tpu.memref_slice %arg8[%run_scoped3A_424, %dma_start3A_468, %dma_start3A_469] : memref<4x128x128xf32, #tpu.memory_space<vmem>> -> memref<1x128x128xf32, #tpu.memory_space<vmem>>
          %dma_start3A_471 = tpu.memref_squeeze %dma_start3A_470 : memref<1x128x128xf32, #tpu.memory_space<vmem>> -> memref<128x128xf32, #tpu.memory_space<vmem>>
          %dma_start3A_472 = arith.constant 0 : i32
          %dma_start3A_473 = tpu.memref_slice %arg7[%mul3A_423, %dma_start3A_472] : memref<384x128xf32, #tpu.memory_space<vmem_shared>> -> memref<128x128xf32, #tpu.memory_space<vmem_shared>>
          tpu.enqueue_dma source(%dma_start3A_473 : memref<128x128xf32, #tpu.memory_space<vmem_shared>>) target(%dma_start3A_471 : memref<128x128xf32, #tpu.memory_space<vmem>>) target_semaphore(%run_scoped3A_461 : memref<!tpu.dma_semaphore, #tpu.memory_space<semaphore_mem>>)
          %dma_wait3A_474 = arith.constant 0 : i32
          %dma_wait3A_475 = arith.constant 0 : i32
          %dma_wait3A_476 = tpu.memref_slice %arg8[%run_scoped3A_424, %dma_wait3A_474, %dma_wait3A_475] : memref<4x128x128xf32, #tpu.memory_space<vmem>> -> memref<1x128x128xf32, #tpu.memory_space<vmem>>
          %dma_wait3A_477 = tpu.memref_squeeze %dma_wait3A_476 : memref<1x128x128xf32, #tpu.memory_space<vmem>> -> memref<128x128xf32, #tpu.memory_space<vmem>>
          %dma_wait3A_478 = arith.constant 0 : i32
          %dma_wait3A_479 = tpu.memref_slice %arg7[%mul3A_423, %dma_wait3A_478] : memref<384x128xf32, #tpu.memory_space<vmem_shared>> -> memref<128x128xf32, #tpu.memory_space<vmem_shared>>
          %dma_wait3A_480 = arith.constant 0 : i32
          %dma_wait3A_481 = arith.constant 0 : i32
          %dma_wait3A_482 = tpu.memref_slice %arg8[%run_scoped3A_424, %dma_wait3A_480, %dma_wait3A_481] : memref<4x128x128xf32, #tpu.memory_space<vmem>> -> memref<1x128x128xf32, #tpu.memory_space<vmem>>
          %dma_wait3A_483 = tpu.memref_squeeze %dma_wait3A_482 : memref<1x128x128xf32, #tpu.memory_space<vmem>> -> memref<128x128xf32, #tpu.memory_space<vmem>>
          %dma_wait3A_484 = arith.constant 0 : i32
          %dma_wait3A_485 = tpu.memref_slice %arg7[%mul3A_423, %dma_wait3A_484] : memref<384x128xf32, #tpu.memory_space<vmem_shared>> -> memref<128x128xf32, #tpu.memory_space<vmem_shared>>
          tpu.wait_dma2 semaphore(%run_scoped3A_461 : memref<!tpu.dma_semaphore, #tpu.memory_space<semaphore_mem>>) src(%dma_wait3A_485 : memref<128x128xf32, #tpu.memory_space<vmem_shared>>) dst(%dma_wait3A_483 : memref<128x128xf32, #tpu.memory_space<vmem>>)
          tpu.yield
        }) : () -> ()
        %mul3A_425 = arith.constant 2 : i32
        %mul3A_426 = arith.muli %add3A_213, %mul3A_425 : i32
        %add3A_427 = arith.constant 0 : i32
        %add3A_428 = arith.addi %mul3A_426, %add3A_427 : i32
        %dma_start3A_429 = arith.constant 2 : i32
        %dma_start3A_430 = arith.constant 2 : i32
        %dma_start3A_431 = arith.constant 0 : i32
        %dma_start3A_432 = arith.constant 0 : i32
        %dma_start3A_433 = tpu.memref_slice %arg8[%dma_start3A_429, %dma_start3A_431, %dma_start3A_432] : memref<4x128x128xf32, #tpu.memory_space<vmem>> -> memref<1x64x128xf32, #tpu.memory_space<vmem>>
        %dma_start3A_434 = tpu.memref_squeeze %dma_start3A_433 : memref<1x64x128xf32, #tpu.memory_space<vmem>> -> memref<64x128xf32, #tpu.memory_space<vmem>>
        %dma_start3A_435 = arith.constant 0 : i32
        %dma_start3A_436 = tpu.memref_slice %arg6[%add3A_428, %dma_start3A_435] : memref<192x64xi32, #tpu.memory_space<vmem>> -> memref<1x64xi32, #tpu.memory_space<vmem>>
        %dma_start3A_437 = tpu.memref_squeeze %dma_start3A_436 : memref<1x64xi32, #tpu.memory_space<vmem>> -> memref<64xi32, #tpu.memory_space<vmem>>
        %dma_start3A_438 = arith.constant 0 : i32
        %dma_start3A_439 = arith.constant 0 : i32
        %dma_start3A_440 = tpu.memref_slice %arg3[%dma_start3A_438, %dma_start3A_439] : memref<30522x128xf32, #tpu.memory_space<hbm>> -> memref<30522x128xf32, #tpu.memory_space<hbm>>
        %dma_start3A_441 = tpu.memref_slice %arg9[%dma_start3A_430] : memref<4x!tpu.dma_semaphore, #tpu.memory_space<semaphore_mem>> -> memref<1x!tpu.dma_semaphore, #tpu.memory_space<semaphore_mem>>
        %dma_start3A_442 = tpu.memref_squeeze %dma_start3A_441 : memref<1x!tpu.dma_semaphore, #tpu.memory_space<semaphore_mem>> -> memref<!tpu.dma_semaphore, #tpu.memory_space<semaphore_mem>>
        tpu.enqueue_indirect_dma source(%dma_start3A_440 : memref<30522x128xf32, #tpu.memory_space<hbm>>) target(%dma_start3A_434 : memref<64x128xf32, #tpu.memory_space<vmem>>) offsets(%dma_start3A_437 : memref<64xi32, #tpu.memory_space<vmem>>) semaphore(%dma_start3A_442 : memref<!tpu.dma_semaphore, #tpu.memory_space<semaphore_mem>>) {add = true}
        %mul3A_443 = arith.constant 2 : i32
        %mul3A_444 = arith.muli %add3A_213, %mul3A_443 : i32
        %add3A_445 = arith.constant 1 : i32
        %add3A_446 = arith.addi %mul3A_444, %add3A_445 : i32
        %dma_start3A_447 = arith.constant 2 : i32
        %dma_start3A_448 = arith.constant 2 : i32
        %dma_start3A_449 = arith.constant 64 : i32
        %dma_start3A_450 = arith.constant 0 : i32
        %dma_start3A_451 = tpu.memref_slice %arg8[%dma_start3A_447, %dma_start3A_449, %dma_start3A_450] : memref<4x128x128xf32, #tpu.memory_space<vmem>> -> memref<1x64x128xf32, #tpu.memory_space<vmem>>
        %dma_start3A_452 = tpu.memref_squeeze %dma_start3A_451 : memref<1x64x128xf32, #tpu.memory_space<vmem>> -> memref<64x128xf32, #tpu.memory_space<vmem>>
        %dma_start3A_453 = arith.constant 0 : i32
        %dma_start3A_454 = tpu.memref_slice %arg6[%add3A_446, %dma_start3A_453] : memref<192x64xi32, #tpu.memory_space<vmem>> -> memref<1x64xi32, #tpu.memory_space<vmem>>
        %dma_start3A_455 = tpu.memref_squeeze %dma_start3A_454 : memref<1x64xi32, #tpu.memory_space<vmem>> -> memref<64xi32, #tpu.memory_space<vmem>>
        %dma_start3A_456 = arith.constant 0 : i32
        %dma_start3A_457 = arith.constant 0 : i32
        %dma_start3A_458 = tpu.memref_slice %arg3[%dma_start3A_456, %dma_start3A_457] : memref<30522x128xf32, #tpu.memory_space<hbm>> -> memref<30522x128xf32, #tpu.memory_space<hbm>>
        %dma_start3A_459 = tpu.memref_slice %arg9[%dma_start3A_448] : memref<4x!tpu.dma_semaphore, #tpu.memory_space<semaphore_mem>> -> memref<1x!tpu.dma_semaphore, #tpu.memory_space<semaphore_mem>>
        %dma_start3A_460 = tpu.memref_squeeze %dma_start3A_459 : memref<1x!tpu.dma_semaphore, #tpu.memory_space<semaphore_mem>> -> memref<!tpu.dma_semaphore, #tpu.memory_space<semaphore_mem>>
        tpu.enqueue_indirect_dma source(%dma_start3A_458 : memref<30522x128xf32, #tpu.memory_space<hbm>>) target(%dma_start3A_452 : memref<64x128xf32, #tpu.memory_space<vmem>>) offsets(%dma_start3A_455 : memref<64xi32, #tpu.memory_space<vmem>>) semaphore(%dma_start3A_460 : memref<!tpu.dma_semaphore, #tpu.memory_space<semaphore_mem>>) {add = true}
      } else {
      }
      %mul3A_218 = arith.constant 4 : i32
      %mul3A_219 = arith.muli %scan3A_152, %mul3A_218 : i32
      %add3A_220 = arith.constant 1 : i32
      %add3A_221 = arith.addi %mul3A_219, %add3A_220 : i32
      %mul3A_222 = arith.constant 2 : i32
      %mul3A_223 = arith.muli %add3A_221, %mul3A_222 : i32
      %add3A_224 = arith.constant 0 : i32
      %add3A_225 = arith.addi %mul3A_223, %add3A_224 : i32
      %dma_wait3A_226 = arith.constant 1 : i32
      %dma_wait3A_227 = arith.constant 1 : i32
      %dma_wait3A_228 = arith.constant 0 : i32
      %dma_wait3A_229 = arith.constant 0 : i32
      %dma_wait3A_230 = tpu.memref_slice %arg8[%dma_wait3A_226, %dma_wait3A_228, %dma_wait3A_229] : memref<4x128x128xf32, #tpu.memory_space<vmem>> -> memref<1x64x128xf32, #tpu.memory_space<vmem>>
      %dma_wait3A_231 = tpu.memref_squeeze %dma_wait3A_230 : memref<1x64x128xf32, #tpu.memory_space<vmem>> -> memref<64x128xf32, #tpu.memory_space<vmem>>
      %dma_wait3A_232 = arith.constant 0 : i32
      %dma_wait3A_233 = tpu.memref_slice %arg6[%add3A_225, %dma_wait3A_232] : memref<192x64xi32, #tpu.memory_space<vmem>> -> memref<1x64xi32, #tpu.memory_space<vmem>>
      %dma_wait3A_234 = tpu.memref_squeeze %dma_wait3A_233 : memref<1x64xi32, #tpu.memory_space<vmem>> -> memref<64xi32, #tpu.memory_space<vmem>>
      %dma_wait3A_235 = arith.constant 0 : i32
      %dma_wait3A_236 = arith.constant 0 : i32
      %dma_wait3A_237 = tpu.memref_slice %arg3[%dma_wait3A_235, %dma_wait3A_236] : memref<30522x128xf32, #tpu.memory_space<hbm>> -> memref<30522x128xf32, #tpu.memory_space<hbm>>
      %dma_wait3A_238 = tpu.memref_slice %arg9[%dma_wait3A_227] : memref<4x!tpu.dma_semaphore, #tpu.memory_space<semaphore_mem>> -> memref<1x!tpu.dma_semaphore, #tpu.memory_space<semaphore_mem>>
      %dma_wait3A_239 = tpu.memref_squeeze %dma_wait3A_238 : memref<1x!tpu.dma_semaphore, #tpu.memory_space<semaphore_mem>> -> memref<!tpu.dma_semaphore, #tpu.memory_space<semaphore_mem>>
      tpu.wait_indirect_dma semaphore(%dma_wait3A_239 : memref<!tpu.dma_semaphore, #tpu.memory_space<semaphore_mem>>) src(%dma_wait3A_237 : memref<30522x128xf32, #tpu.memory_space<hbm>>) dst(%dma_wait3A_231 : memref<64x128xf32, #tpu.memory_space<vmem>>)
      %mul3A_240 = arith.constant 2 : i32
      %mul3A_241 = arith.muli %add3A_221, %mul3A_240 : i32
      %add3A_242 = arith.constant 1 : i32
      %add3A_243 = arith.addi %mul3A_241, %add3A_242 : i32
      %dma_wait3A_244 = arith.constant 1 : i32
      %dma_wait3A_245 = arith.constant 1 : i32
      %dma_wait3A_246 = arith.constant 64 : i32
      %dma_wait3A_247 = arith.constant 0 : i32
      %dma_wait3A_248 = tpu.memref_slice %arg8[%dma_wait3A_244, %dma_wait3A_246, %dma_wait3A_247] : memref<4x128x128xf32, #tpu.memory_space<vmem>> -> memref<1x64x128xf32, #tpu.memory_space<vmem>>
      %dma_wait3A_249 = tpu.memref_squeeze %dma_wait3A_248 : memref<1x64x128xf32, #tpu.memory_space<vmem>> -> memref<64x128xf32, #tpu.memory_space<vmem>>
      %dma_wait3A_250 = arith.constant 0 : i32
      %dma_wait3A_251 = tpu.memref_slice %arg6[%add3A_243, %dma_wait3A_250] : memref<192x64xi32, #tpu.memory_space<vmem>> -> memref<1x64xi32, #tpu.memory_space<vmem>>
      %dma_wait3A_252 = tpu.memref_squeeze %dma_wait3A_251 : memref<1x64xi32, #tpu.memory_space<vmem>> -> memref<64xi32, #tpu.memory_space<vmem>>
      %dma_wait3A_253 = arith.constant 0 : i32
      %dma_wait3A_254 = arith.constant 0 : i32
      %dma_wait3A_255 = tpu.memref_slice %arg3[%dma_wait3A_253, %dma_wait3A_254] : memref<30522x128xf32, #tpu.memory_space<hbm>> -> memref<30522x128xf32, #tpu.memory_space<hbm>>
      %dma_wait3A_256 = tpu.memref_slice %arg9[%dma_wait3A_245] : memref<4x!tpu.dma_semaphore, #tpu.memory_space<semaphore_mem>> -> memref<1x!tpu.dma_semaphore, #tpu.memory_space<semaphore_mem>>
      %dma_wait3A_257 = tpu.memref_squeeze %dma_wait3A_256 : memref<1x!tpu.dma_semaphore, #tpu.memory_space<semaphore_mem>> -> memref<!tpu.dma_semaphore, #tpu.memory_space<semaphore_mem>>
      tpu.wait_indirect_dma semaphore(%dma_wait3A_257 : memref<!tpu.dma_semaphore, #tpu.memory_space<semaphore_mem>>) src(%dma_wait3A_255 : memref<30522x128xf32, #tpu.memory_space<hbm>>) dst(%dma_wait3A_249 : memref<64x128xf32, #tpu.memory_space<vmem>>)
      %add3A_258 = arith.addi %mul3A_2, %add3A_221 : i32
      %mul3A_259 = arith.constant 128 : i32
      %mul3A_260 = arith.muli %add3A_258, %mul3A_259 : i32
      %dma_start3A_261 = arith.constant 1 : i32
      %dma_start3A_262 = arith.constant 1 : i32
      %dma_start3A_263 = arith.constant 0 : i32
      %dma_start3A_264 = arith.constant 0 : i32
      %dma_start3A_265 = tpu.memref_slice %arg8[%dma_start3A_261, %dma_start3A_263, %dma_start3A_264] : memref<4x128x128xf32, #tpu.memory_space<vmem>> -> memref<1x128x128xf32, #tpu.memory_space<vmem>>
      %dma_start3A_266 = tpu.memref_squeeze %dma_start3A_265 : memref<1x128x128xf32, #tpu.memory_space<vmem>> -> memref<128x128xf32, #tpu.memory_space<vmem>>
      %dma_start3A_267 = arith.constant 0 : i32
      %dma_start3A_268 = tpu.memref_slice %arg5[%mul3A_260, %dma_start3A_267] : memref<393216x128xf32, #tpu.memory_space<hbm>> -> memref<128x128xf32, #tpu.memory_space<hbm>>
      %dma_start3A_269 = tpu.memref_slice %arg10[%dma_start3A_262] : memref<4x!tpu.dma_semaphore, #tpu.memory_space<semaphore_mem>> -> memref<1x!tpu.dma_semaphore, #tpu.memory_space<semaphore_mem>>
      %dma_start3A_270 = tpu.memref_squeeze %dma_start3A_269 : memref<1x!tpu.dma_semaphore, #tpu.memory_space<semaphore_mem>> -> memref<!tpu.dma_semaphore, #tpu.memory_space<semaphore_mem>>
      %dma_start3A_271 = arith.constant 0 : i32
      %dma_start3A_272 = tpu.memref_slice %arg5[%mul3A_260, %dma_start3A_271] : memref<393216x128xf32, #tpu.memory_space<hbm>> -> memref<128x128xf32, #tpu.memory_space<hbm>>
      %dma_start3A_273 = arith.constant 0 : i32
      %dma_start3A_274 = arith.constant 0 : i32
      %dma_start3A_275 = tpu.memref_slice %arg8[%dma_start3A_261, %dma_start3A_273, %dma_start3A_274] : memref<4x128x128xf32, #tpu.memory_space<vmem>> -> memref<1x128x128xf32, #tpu.memory_space<vmem>>
      %dma_start3A_276 = tpu.memref_squeeze %dma_start3A_275 : memref<1x128x128xf32, #tpu.memory_space<vmem>> -> memref<128x128xf32, #tpu.memory_space<vmem>>
      tpu.enqueue_dma source(%dma_start3A_276 : memref<128x128xf32, #tpu.memory_space<vmem>>) target(%dma_start3A_272 : memref<128x128xf32, #tpu.memory_space<hbm>>) target_semaphore(%dma_start3A_270 : memref<!tpu.dma_semaphore, #tpu.memory_space<semaphore_mem>>)
      %add3A_277 = arith.constant 2 : i32
      %add3A_278 = arith.addi %add3A_221, %add3A_277 : i32
      %lt3A_279 = arith.constant 96 : i32
      %lt3A_280 = arith.cmpi slt, %add3A_278, %lt3A_279 : i32
      %convert_element_type3A_281 = arith.extui %lt3A_280 : i1 to i32
      %cond3A_282 = arith.constant 0 : i32
      %cond3A_283 = arith.cmpi ne, %convert_element_type3A_281, %cond3A_282 : i32
      scf.if %cond3A_283 {
        %ge3A = arith.constant 2 : i32
        %ge3A_416 = arith.cmpi sge, %add3A_221, %ge3A : i32
        %convert_element_type3A_417 = arith.extui %ge3A_416 : i1 to i32
        %cond3A_418 = arith.constant 0 : i32
        %cond3A_419 = arith.cmpi ne, %convert_element_type3A_417, %cond3A_418 : i32
        scf.if %cond3A_419 {
          %dma_wait3A_461 = arith.constant 3 : i32
          %dma_wait3A_462 = arith.constant 3 : i32
          %dma_wait3A_463 = arith.constant 0 : i32
          %dma_wait3A_464 = arith.constant 0 : i32
          %dma_wait3A_465 = tpu.memref_slice %arg8[%dma_wait3A_461, %dma_wait3A_463, %dma_wait3A_464] : memref<4x128x128xf32, #tpu.memory_space<vmem>> -> memref<1x128x128xf32, #tpu.memory_space<vmem>>
          %dma_wait3A_466 = tpu.memref_squeeze %dma_wait3A_465 : memref<1x128x128xf32, #tpu.memory_space<vmem>> -> memref<128x128xf32, #tpu.memory_space<vmem>>
          %dma_wait3A_467 = arith.constant 0 : i32
          %dma_wait3A_468 = arith.constant 0 : i32
          %dma_wait3A_469 = tpu.memref_slice %arg5[%dma_wait3A_467, %dma_wait3A_468] : memref<393216x128xf32, #tpu.memory_space<hbm>> -> memref<128x128xf32, #tpu.memory_space<hbm>>
          %dma_wait3A_470 = tpu.memref_slice %arg10[%dma_wait3A_462] : memref<4x!tpu.dma_semaphore, #tpu.memory_space<semaphore_mem>> -> memref<1x!tpu.dma_semaphore, #tpu.memory_space<semaphore_mem>>
          %dma_wait3A_471 = tpu.memref_squeeze %dma_wait3A_470 : memref<1x!tpu.dma_semaphore, #tpu.memory_space<semaphore_mem>> -> memref<!tpu.dma_semaphore, #tpu.memory_space<semaphore_mem>>
          %dma_wait3A_472 = arith.constant 0 : i32
          %dma_wait3A_473 = arith.constant 0 : i32
          %dma_wait3A_474 = tpu.memref_slice %arg5[%dma_wait3A_472, %dma_wait3A_473] : memref<393216x128xf32, #tpu.memory_space<hbm>> -> memref<128x128xf32, #tpu.memory_space<hbm>>
          %dma_wait3A_475 = arith.constant 0 : i32
          %dma_wait3A_476 = arith.constant 0 : i32
          %dma_wait3A_477 = tpu.memref_slice %arg8[%dma_wait3A_461, %dma_wait3A_475, %dma_wait3A_476] : memref<4x128x128xf32, #tpu.memory_space<vmem>> -> memref<1x128x128xf32, #tpu.memory_space<vmem>>
          %dma_wait3A_478 = tpu.memref_squeeze %dma_wait3A_477 : memref<1x128x128xf32, #tpu.memory_space<vmem>> -> memref<128x128xf32, #tpu.memory_space<vmem>>
          tpu.wait_dma2 semaphore(%dma_wait3A_471 : memref<!tpu.dma_semaphore, #tpu.memory_space<semaphore_mem>>) src(%dma_wait3A_478 : memref<128x128xf32, #tpu.memory_space<vmem>>) dst(%dma_wait3A_474 : memref<128x128xf32, #tpu.memory_space<hbm>>)
        } else {
        }
        %rem3A_420 = arith.constant 3 : i32
        %rem3A_421 = arith.remsi %add3A_278, %rem3A_420 : i32
        %mul3A_422 = arith.constant 128 : i32
        %mul3A_423 = arith.muli %rem3A_421, %mul3A_422 : i32
        %run_scoped3A_424 = arith.constant 3 : i32
        "tpu.region"() ({
          %run_scoped3A_461 = tpu.sem_alloc : memref<!tpu.dma_semaphore, #tpu.memory_space<semaphore_mem>>
          %dma_start3A_462 = arith.constant 0 : i32
          %dma_start3A_463 = arith.constant 0 : i32
          %dma_start3A_464 = tpu.memref_slice %arg8[%run_scoped3A_424, %dma_start3A_462, %dma_start3A_463] : memref<4x128x128xf32, #tpu.memory_space<vmem>> -> memref<1x128x128xf32, #tpu.memory_space<vmem>>
          %dma_start3A_465 = tpu.memref_squeeze %dma_start3A_464 : memref<1x128x128xf32, #tpu.memory_space<vmem>> -> memref<128x128xf32, #tpu.memory_space<vmem>>
          %dma_start3A_466 = arith.constant 0 : i32
          %dma_start3A_467 = tpu.memref_slice %arg7[%mul3A_423, %dma_start3A_466] : memref<384x128xf32, #tpu.memory_space<vmem_shared>> -> memref<128x128xf32, #tpu.memory_space<vmem_shared>>
          %dma_start3A_468 = arith.constant 0 : i32
          %dma_start3A_469 = arith.constant 0 : i32
          %dma_start3A_470 = tpu.memref_slice %arg8[%run_scoped3A_424, %dma_start3A_468, %dma_start3A_469] : memref<4x128x128xf32, #tpu.memory_space<vmem>> -> memref<1x128x128xf32, #tpu.memory_space<vmem>>
          %dma_start3A_471 = tpu.memref_squeeze %dma_start3A_470 : memref<1x128x128xf32, #tpu.memory_space<vmem>> -> memref<128x128xf32, #tpu.memory_space<vmem>>
          %dma_start3A_472 = arith.constant 0 : i32
          %dma_start3A_473 = tpu.memref_slice %arg7[%mul3A_423, %dma_start3A_472] : memref<384x128xf32, #tpu.memory_space<vmem_shared>> -> memref<128x128xf32, #tpu.memory_space<vmem_shared>>
          tpu.enqueue_dma source(%dma_start3A_473 : memref<128x128xf32, #tpu.memory_space<vmem_shared>>) target(%dma_start3A_471 : memref<128x128xf32, #tpu.memory_space<vmem>>) target_semaphore(%run_scoped3A_461 : memref<!tpu.dma_semaphore, #tpu.memory_space<semaphore_mem>>)
          %dma_wait3A_474 = arith.constant 0 : i32
          %dma_wait3A_475 = arith.constant 0 : i32
          %dma_wait3A_476 = tpu.memref_slice %arg8[%run_scoped3A_424, %dma_wait3A_474, %dma_wait3A_475] : memref<4x128x128xf32, #tpu.memory_space<vmem>> -> memref<1x128x128xf32, #tpu.memory_space<vmem>>
          %dma_wait3A_477 = tpu.memref_squeeze %dma_wait3A_476 : memref<1x128x128xf32, #tpu.memory_space<vmem>> -> memref<128x128xf32, #tpu.memory_space<vmem>>
          %dma_wait3A_478 = arith.constant 0 : i32
          %dma_wait3A_479 = tpu.memref_slice %arg7[%mul3A_423, %dma_wait3A_478] : memref<384x128xf32, #tpu.memory_space<vmem_shared>> -> memref<128x128xf32, #tpu.memory_space<vmem_shared>>
          %dma_wait3A_480 = arith.constant 0 : i32
          %dma_wait3A_481 = arith.constant 0 : i32
          %dma_wait3A_482 = tpu.memref_slice %arg8[%run_scoped3A_424, %dma_wait3A_480, %dma_wait3A_481] : memref<4x128x128xf32, #tpu.memory_space<vmem>> -> memref<1x128x128xf32, #tpu.memory_space<vmem>>
          %dma_wait3A_483 = tpu.memref_squeeze %dma_wait3A_482 : memref<1x128x128xf32, #tpu.memory_space<vmem>> -> memref<128x128xf32, #tpu.memory_space<vmem>>
          %dma_wait3A_484 = arith.constant 0 : i32
          %dma_wait3A_485 = tpu.memref_slice %arg7[%mul3A_423, %dma_wait3A_484] : memref<384x128xf32, #tpu.memory_space<vmem_shared>> -> memref<128x128xf32, #tpu.memory_space<vmem_shared>>
          tpu.wait_dma2 semaphore(%run_scoped3A_461 : memref<!tpu.dma_semaphore, #tpu.memory_space<semaphore_mem>>) src(%dma_wait3A_485 : memref<128x128xf32, #tpu.memory_space<vmem_shared>>) dst(%dma_wait3A_483 : memref<128x128xf32, #tpu.memory_space<vmem>>)
          tpu.yield
        }) : () -> ()
        %mul3A_425 = arith.constant 2 : i32
        %mul3A_426 = arith.muli %add3A_278, %mul3A_425 : i32
        %add3A_427 = arith.constant 0 : i32
        %add3A_428 = arith.addi %mul3A_426, %add3A_427 : i32
        %dma_start3A_429 = arith.constant 3 : i32
        %dma_start3A_430 = arith.constant 3 : i32
        %dma_start3A_431 = arith.constant 0 : i32
        %dma_start3A_432 = arith.constant 0 : i32
        %dma_start3A_433 = tpu.memref_slice %arg8[%dma_start3A_429, %dma_start3A_431, %dma_start3A_432] : memref<4x128x128xf32, #tpu.memory_space<vmem>> -> memref<1x64x128xf32, #tpu.memory_space<vmem>>
        %dma_start3A_434 = tpu.memref_squeeze %dma_start3A_433 : memref<1x64x128xf32, #tpu.memory_space<vmem>> -> memref<64x128xf32, #tpu.memory_space<vmem>>
        %dma_start3A_435 = arith.constant 0 : i32
        %dma_start3A_436 = tpu.memref_slice %arg6[%add3A_428, %dma_start3A_435] : memref<192x64xi32, #tpu.memory_space<vmem>> -> memref<1x64xi32, #tpu.memory_space<vmem>>
        %dma_start3A_437 = tpu.memref_squeeze %dma_start3A_436 : memref<1x64xi32, #tpu.memory_space<vmem>> -> memref<64xi32, #tpu.memory_space<vmem>>
        %dma_start3A_438 = arith.constant 0 : i32
        %dma_start3A_439 = arith.constant 0 : i32
        %dma_start3A_440 = tpu.memref_slice %arg3[%dma_start3A_438, %dma_start3A_439] : memref<30522x128xf32, #tpu.memory_space<hbm>> -> memref<30522x128xf32, #tpu.memory_space<hbm>>
        %dma_start3A_441 = tpu.memref_slice %arg9[%dma_start3A_430] : memref<4x!tpu.dma_semaphore, #tpu.memory_space<semaphore_mem>> -> memref<1x!tpu.dma_semaphore, #tpu.memory_space<semaphore_mem>>
        %dma_start3A_442 = tpu.memref_squeeze %dma_start3A_441 : memref<1x!tpu.dma_semaphore, #tpu.memory_space<semaphore_mem>> -> memref<!tpu.dma_semaphore, #tpu.memory_space<semaphore_mem>>
        tpu.enqueue_indirect_dma source(%dma_start3A_440 : memref<30522x128xf32, #tpu.memory_space<hbm>>) target(%dma_start3A_434 : memref<64x128xf32, #tpu.memory_space<vmem>>) offsets(%dma_start3A_437 : memref<64xi32, #tpu.memory_space<vmem>>) semaphore(%dma_start3A_442 : memref<!tpu.dma_semaphore, #tpu.memory_space<semaphore_mem>>) {add = true}
        %mul3A_443 = arith.constant 2 : i32
        %mul3A_444 = arith.muli %add3A_278, %mul3A_443 : i32
        %add3A_445 = arith.constant 1 : i32
        %add3A_446 = arith.addi %mul3A_444, %add3A_445 : i32
        %dma_start3A_447 = arith.constant 3 : i32
        %dma_start3A_448 = arith.constant 3 : i32
        %dma_start3A_449 = arith.constant 64 : i32
        %dma_start3A_450 = arith.constant 0 : i32
        %dma_start3A_451 = tpu.memref_slice %arg8[%dma_start3A_447, %dma_start3A_449, %dma_start3A_450] : memref<4x128x128xf32, #tpu.memory_space<vmem>> -> memref<1x64x128xf32, #tpu.memory_space<vmem>>
        %dma_start3A_452 = tpu.memref_squeeze %dma_start3A_451 : memref<1x64x128xf32, #tpu.memory_space<vmem>> -> memref<64x128xf32, #tpu.memory_space<vmem>>
        %dma_start3A_453 = arith.constant 0 : i32
        %dma_start3A_454 = tpu.memref_slice %arg6[%add3A_446, %dma_start3A_453] : memref<192x64xi32, #tpu.memory_space<vmem>> -> memref<1x64xi32, #tpu.memory_space<vmem>>
        %dma_start3A_455 = tpu.memref_squeeze %dma_start3A_454 : memref<1x64xi32, #tpu.memory_space<vmem>> -> memref<64xi32, #tpu.memory_space<vmem>>
        %dma_start3A_456 = arith.constant 0 : i32
        %dma_start3A_457 = arith.constant 0 : i32
        %dma_start3A_458 = tpu.memref_slice %arg3[%dma_start3A_456, %dma_start3A_457] : memref<30522x128xf32, #tpu.memory_space<hbm>> -> memref<30522x128xf32, #tpu.memory_space<hbm>>
        %dma_start3A_459 = tpu.memref_slice %arg9[%dma_start3A_448] : memref<4x!tpu.dma_semaphore, #tpu.memory_space<semaphore_mem>> -> memref<1x!tpu.dma_semaphore, #tpu.memory_space<semaphore_mem>>
        %dma_start3A_460 = tpu.memref_squeeze %dma_start3A_459 : memref<1x!tpu.dma_semaphore, #tpu.memory_space<semaphore_mem>> -> memref<!tpu.dma_semaphore, #tpu.memory_space<semaphore_mem>>
        tpu.enqueue_indirect_dma source(%dma_start3A_458 : memref<30522x128xf32, #tpu.memory_space<hbm>>) target(%dma_start3A_452 : memref<64x128xf32, #tpu.memory_space<vmem>>) offsets(%dma_start3A_455 : memref<64xi32, #tpu.memory_space<vmem>>) semaphore(%dma_start3A_460 : memref<!tpu.dma_semaphore, #tpu.memory_space<semaphore_mem>>) {add = true}
      } else {
      }
      %mul3A_284 = arith.constant 4 : i32
      %mul3A_285 = arith.muli %scan3A_152, %mul3A_284 : i32
      %add3A_286 = arith.constant 2 : i32
      %add3A_287 = arith.addi %mul3A_285, %add3A_286 : i32
      %mul3A_288 = arith.constant 2 : i32
      %mul3A_289 = arith.muli %add3A_287, %mul3A_288 : i32
      %add3A_290 = arith.constant 0 : i32
      %add3A_291 = arith.addi %mul3A_289, %add3A_290 : i32
      %dma_wait3A_292 = arith.constant 2 : i32
      %dma_wait3A_293 = arith.constant 2 : i32
      %dma_wait3A_294 = arith.constant 0 : i32
      %dma_wait3A_295 = arith.constant 0 : i32
      %dma_wait3A_296 = tpu.memref_slice %arg8[%dma_wait3A_292, %dma_wait3A_294, %dma_wait3A_295] : memref<4x128x128xf32, #tpu.memory_space<vmem>> -> memref<1x64x128xf32, #tpu.memory_space<vmem>>
      %dma_wait3A_297 = tpu.memref_squeeze %dma_wait3A_296 : memref<1x64x128xf32, #tpu.memory_space<vmem>> -> memref<64x128xf32, #tpu.memory_space<vmem>>
      %dma_wait3A_298 = arith.constant 0 : i32
      %dma_wait3A_299 = tpu.memref_slice %arg6[%add3A_291, %dma_wait3A_298] : memref<192x64xi32, #tpu.memory_space<vmem>> -> memref<1x64xi32, #tpu.memory_space<vmem>>
      %dma_wait3A_300 = tpu.memref_squeeze %dma_wait3A_299 : memref<1x64xi32, #tpu.memory_space<vmem>> -> memref<64xi32, #tpu.memory_space<vmem>>
      %dma_wait3A_301 = arith.constant 0 : i32
      %dma_wait3A_302 = arith.constant 0 : i32
      %dma_wait3A_303 = tpu.memref_slice %arg3[%dma_wait3A_301, %dma_wait3A_302] : memref<30522x128xf32, #tpu.memory_space<hbm>> -> memref<30522x128xf32, #tpu.memory_space<hbm>>
      %dma_wait3A_304 = tpu.memref_slice %arg9[%dma_wait3A_293] : memref<4x!tpu.dma_semaphore, #tpu.memory_space<semaphore_mem>> -> memref<1x!tpu.dma_semaphore, #tpu.memory_space<semaphore_mem>>
      %dma_wait3A_305 = tpu.memref_squeeze %dma_wait3A_304 : memref<1x!tpu.dma_semaphore, #tpu.memory_space<semaphore_mem>> -> memref<!tpu.dma_semaphore, #tpu.memory_space<semaphore_mem>>
      tpu.wait_indirect_dma semaphore(%dma_wait3A_305 : memref<!tpu.dma_semaphore, #tpu.memory_space<semaphore_mem>>) src(%dma_wait3A_303 : memref<30522x128xf32, #tpu.memory_space<hbm>>) dst(%dma_wait3A_297 : memref<64x128xf32, #tpu.memory_space<vmem>>)
      %mul3A_306 = arith.constant 2 : i32
      %mul3A_307 = arith.muli %add3A_287, %mul3A_306 : i32
      %add3A_308 = arith.constant 1 : i32
      %add3A_309 = arith.addi %mul3A_307, %add3A_308 : i32
      %dma_wait3A_310 = arith.constant 2 : i32
      %dma_wait3A_311 = arith.constant 2 : i32
      %dma_wait3A_312 = arith.constant 64 : i32
      %dma_wait3A_313 = arith.constant 0 : i32
      %dma_wait3A_314 = tpu.memref_slice %arg8[%dma_wait3A_310, %dma_wait3A_312, %dma_wait3A_313] : memref<4x128x128xf32, #tpu.memory_space<vmem>> -> memref<1x64x128xf32, #tpu.memory_space<vmem>>
      %dma_wait3A_315 = tpu.memref_squeeze %dma_wait3A_314 : memref<1x64x128xf32, #tpu.memory_space<vmem>> -> memref<64x128xf32, #tpu.memory_space<vmem>>
      %dma_wait3A_316 = arith.constant 0 : i32
      %dma_wait3A_317 = tpu.memref_slice %arg6[%add3A_309, %dma_wait3A_316] : memref<192x64xi32, #tpu.memory_space<vmem>> -> memref<1x64xi32, #tpu.memory_space<vmem>>
      %dma_wait3A_318 = tpu.memref_squeeze %dma_wait3A_317 : memref<1x64xi32, #tpu.memory_space<vmem>> -> memref<64xi32, #tpu.memory_space<vmem>>
      %dma_wait3A_319 = arith.constant 0 : i32
      %dma_wait3A_320 = arith.constant 0 : i32
      %dma_wait3A_321 = tpu.memref_slice %arg3[%dma_wait3A_319, %dma_wait3A_320] : memref<30522x128xf32, #tpu.memory_space<hbm>> -> memref<30522x128xf32, #tpu.memory_space<hbm>>
      %dma_wait3A_322 = tpu.memref_slice %arg9[%dma_wait3A_311] : memref<4x!tpu.dma_semaphore, #tpu.memory_space<semaphore_mem>> -> memref<1x!tpu.dma_semaphore, #tpu.memory_space<semaphore_mem>>
      %dma_wait3A_323 = tpu.memref_squeeze %dma_wait3A_322 : memref<1x!tpu.dma_semaphore, #tpu.memory_space<semaphore_mem>> -> memref<!tpu.dma_semaphore, #tpu.memory_space<semaphore_mem>>
      tpu.wait_indirect_dma semaphore(%dma_wait3A_323 : memref<!tpu.dma_semaphore, #tpu.memory_space<semaphore_mem>>) src(%dma_wait3A_321 : memref<30522x128xf32, #tpu.memory_space<hbm>>) dst(%dma_wait3A_315 : memref<64x128xf32, #tpu.memory_space<vmem>>)
      %add3A_324 = arith.addi %mul3A_2, %add3A_287 : i32
      %mul3A_325 = arith.constant 128 : i32
      %mul3A_326 = arith.muli %add3A_324, %mul3A_325 : i32
      %dma_start3A_327 = arith.constant 2 : i32
      %dma_start3A_328 = arith.constant 2 : i32
      %dma_start3A_329 = arith.constant 0 : i32
      %dma_start3A_330 = arith.constant 0 : i32
      %dma_start3A_331 = tpu.memref_slice %arg8[%dma_start3A_327, %dma_start3A_329, %dma_start3A_330] : memref<4x128x128xf32, #tpu.memory_space<vmem>> -> memref<1x128x128xf32, #tpu.memory_space<vmem>>
      %dma_start3A_332 = tpu.memref_squeeze %dma_start3A_331 : memref<1x128x128xf32, #tpu.memory_space<vmem>> -> memref<128x128xf32, #tpu.memory_space<vmem>>
      %dma_start3A_333 = arith.constant 0 : i32
      %dma_start3A_334 = tpu.memref_slice %arg5[%mul3A_326, %dma_start3A_333] : memref<393216x128xf32, #tpu.memory_space<hbm>> -> memref<128x128xf32, #tpu.memory_space<hbm>>
      %dma_start3A_335 = tpu.memref_slice %arg10[%dma_start3A_328] : memref<4x!tpu.dma_semaphore, #tpu.memory_space<semaphore_mem>> -> memref<1x!tpu.dma_semaphore, #tpu.memory_space<semaphore_mem>>
      %dma_start3A_336 = tpu.memref_squeeze %dma_start3A_335 : memref<1x!tpu.dma_semaphore, #tpu.memory_space<semaphore_mem>> -> memref<!tpu.dma_semaphore, #tpu.memory_space<semaphore_mem>>
      %dma_start3A_337 = arith.constant 0 : i32
      %dma_start3A_338 = tpu.memref_slice %arg5[%mul3A_326, %dma_start3A_337] : memref<393216x128xf32, #tpu.memory_space<hbm>> -> memref<128x128xf32, #tpu.memory_space<hbm>>
      %dma_start3A_339 = arith.constant 0 : i32
      %dma_start3A_340 = arith.constant 0 : i32
      %dma_start3A_341 = tpu.memref_slice %arg8[%dma_start3A_327, %dma_start3A_339, %dma_start3A_340] : memref<4x128x128xf32, #tpu.memory_space<vmem>> -> memref<1x128x128xf32, #tpu.memory_space<vmem>>
      %dma_start3A_342 = tpu.memref_squeeze %dma_start3A_341 : memref<1x128x128xf32, #tpu.memory_space<vmem>> -> memref<128x128xf32, #tpu.memory_space<vmem>>
      tpu.enqueue_dma source(%dma_start3A_342 : memref<128x128xf32, #tpu.memory_space<vmem>>) target(%dma_start3A_338 : memref<128x128xf32, #tpu.memory_space<hbm>>) target_semaphore(%dma_start3A_336 : memref<!tpu.dma_semaphore, #tpu.memory_space<semaphore_mem>>)
      %add3A_343 = arith.constant 2 : i32
      %add3A_344 = arith.addi %add3A_287, %add3A_343 : i32
      %lt3A_345 = arith.constant 96 : i32
      %lt3A_346 = arith.cmpi slt, %add3A_344, %lt3A_345 : i32
      %convert_element_type3A_347 = arith.extui %lt3A_346 : i1 to i32
      %cond3A_348 = arith.constant 0 : i32
      %cond3A_349 = arith.cmpi ne, %convert_element_type3A_347, %cond3A_348 : i32
      scf.if %cond3A_349 {
        %ge3A = arith.constant 2 : i32
        %ge3A_416 = arith.cmpi sge, %add3A_287, %ge3A : i32
        %convert_element_type3A_417 = arith.extui %ge3A_416 : i1 to i32
        %cond3A_418 = arith.constant 0 : i32
        %cond3A_419 = arith.cmpi ne, %convert_element_type3A_417, %cond3A_418 : i32
        scf.if %cond3A_419 {
          %dma_wait3A_461 = arith.constant 0 : i32
          %dma_wait3A_462 = arith.constant 0 : i32
          %dma_wait3A_463 = arith.constant 0 : i32
          %dma_wait3A_464 = arith.constant 0 : i32
          %dma_wait3A_465 = tpu.memref_slice %arg8[%dma_wait3A_461, %dma_wait3A_463, %dma_wait3A_464] : memref<4x128x128xf32, #tpu.memory_space<vmem>> -> memref<1x128x128xf32, #tpu.memory_space<vmem>>
          %dma_wait3A_466 = tpu.memref_squeeze %dma_wait3A_465 : memref<1x128x128xf32, #tpu.memory_space<vmem>> -> memref<128x128xf32, #tpu.memory_space<vmem>>
          %dma_wait3A_467 = arith.constant 0 : i32
          %dma_wait3A_468 = arith.constant 0 : i32
          %dma_wait3A_469 = tpu.memref_slice %arg5[%dma_wait3A_467, %dma_wait3A_468] : memref<393216x128xf32, #tpu.memory_space<hbm>> -> memref<128x128xf32, #tpu.memory_space<hbm>>
          %dma_wait3A_470 = tpu.memref_slice %arg10[%dma_wait3A_462] : memref<4x!tpu.dma_semaphore, #tpu.memory_space<semaphore_mem>> -> memref<1x!tpu.dma_semaphore, #tpu.memory_space<semaphore_mem>>
          %dma_wait3A_471 = tpu.memref_squeeze %dma_wait3A_470 : memref<1x!tpu.dma_semaphore, #tpu.memory_space<semaphore_mem>> -> memref<!tpu.dma_semaphore, #tpu.memory_space<semaphore_mem>>
          %dma_wait3A_472 = arith.constant 0 : i32
          %dma_wait3A_473 = arith.constant 0 : i32
          %dma_wait3A_474 = tpu.memref_slice %arg5[%dma_wait3A_472, %dma_wait3A_473] : memref<393216x128xf32, #tpu.memory_space<hbm>> -> memref<128x128xf32, #tpu.memory_space<hbm>>
          %dma_wait3A_475 = arith.constant 0 : i32
          %dma_wait3A_476 = arith.constant 0 : i32
          %dma_wait3A_477 = tpu.memref_slice %arg8[%dma_wait3A_461, %dma_wait3A_475, %dma_wait3A_476] : memref<4x128x128xf32, #tpu.memory_space<vmem>> -> memref<1x128x128xf32, #tpu.memory_space<vmem>>
          %dma_wait3A_478 = tpu.memref_squeeze %dma_wait3A_477 : memref<1x128x128xf32, #tpu.memory_space<vmem>> -> memref<128x128xf32, #tpu.memory_space<vmem>>
          tpu.wait_dma2 semaphore(%dma_wait3A_471 : memref<!tpu.dma_semaphore, #tpu.memory_space<semaphore_mem>>) src(%dma_wait3A_478 : memref<128x128xf32, #tpu.memory_space<vmem>>) dst(%dma_wait3A_474 : memref<128x128xf32, #tpu.memory_space<hbm>>)
        } else {
        }
        %rem3A_420 = arith.constant 3 : i32
        %rem3A_421 = arith.remsi %add3A_344, %rem3A_420 : i32
        %mul3A_422 = arith.constant 128 : i32
        %mul3A_423 = arith.muli %rem3A_421, %mul3A_422 : i32
        %run_scoped3A_424 = arith.constant 0 : i32
        "tpu.region"() ({
          %run_scoped3A_461 = tpu.sem_alloc : memref<!tpu.dma_semaphore, #tpu.memory_space<semaphore_mem>>
          %dma_start3A_462 = arith.constant 0 : i32
          %dma_start3A_463 = arith.constant 0 : i32
          %dma_start3A_464 = tpu.memref_slice %arg8[%run_scoped3A_424, %dma_start3A_462, %dma_start3A_463] : memref<4x128x128xf32, #tpu.memory_space<vmem>> -> memref<1x128x128xf32, #tpu.memory_space<vmem>>
          %dma_start3A_465 = tpu.memref_squeeze %dma_start3A_464 : memref<1x128x128xf32, #tpu.memory_space<vmem>> -> memref<128x128xf32, #tpu.memory_space<vmem>>
          %dma_start3A_466 = arith.constant 0 : i32
          %dma_start3A_467 = tpu.memref_slice %arg7[%mul3A_423, %dma_start3A_466] : memref<384x128xf32, #tpu.memory_space<vmem_shared>> -> memref<128x128xf32, #tpu.memory_space<vmem_shared>>
          %dma_start3A_468 = arith.constant 0 : i32
          %dma_start3A_469 = arith.constant 0 : i32
          %dma_start3A_470 = tpu.memref_slice %arg8[%run_scoped3A_424, %dma_start3A_468, %dma_start3A_469] : memref<4x128x128xf32, #tpu.memory_space<vmem>> -> memref<1x128x128xf32, #tpu.memory_space<vmem>>
          %dma_start3A_471 = tpu.memref_squeeze %dma_start3A_470 : memref<1x128x128xf32, #tpu.memory_space<vmem>> -> memref<128x128xf32, #tpu.memory_space<vmem>>
          %dma_start3A_472 = arith.constant 0 : i32
          %dma_start3A_473 = tpu.memref_slice %arg7[%mul3A_423, %dma_start3A_472] : memref<384x128xf32, #tpu.memory_space<vmem_shared>> -> memref<128x128xf32, #tpu.memory_space<vmem_shared>>
          tpu.enqueue_dma source(%dma_start3A_473 : memref<128x128xf32, #tpu.memory_space<vmem_shared>>) target(%dma_start3A_471 : memref<128x128xf32, #tpu.memory_space<vmem>>) target_semaphore(%run_scoped3A_461 : memref<!tpu.dma_semaphore, #tpu.memory_space<semaphore_mem>>)
          %dma_wait3A_474 = arith.constant 0 : i32
          %dma_wait3A_475 = arith.constant 0 : i32
          %dma_wait3A_476 = tpu.memref_slice %arg8[%run_scoped3A_424, %dma_wait3A_474, %dma_wait3A_475] : memref<4x128x128xf32, #tpu.memory_space<vmem>> -> memref<1x128x128xf32, #tpu.memory_space<vmem>>
          %dma_wait3A_477 = tpu.memref_squeeze %dma_wait3A_476 : memref<1x128x128xf32, #tpu.memory_space<vmem>> -> memref<128x128xf32, #tpu.memory_space<vmem>>
          %dma_wait3A_478 = arith.constant 0 : i32
          %dma_wait3A_479 = tpu.memref_slice %arg7[%mul3A_423, %dma_wait3A_478] : memref<384x128xf32, #tpu.memory_space<vmem_shared>> -> memref<128x128xf32, #tpu.memory_space<vmem_shared>>
          %dma_wait3A_480 = arith.constant 0 : i32
          %dma_wait3A_481 = arith.constant 0 : i32
          %dma_wait3A_482 = tpu.memref_slice %arg8[%run_scoped3A_424, %dma_wait3A_480, %dma_wait3A_481] : memref<4x128x128xf32, #tpu.memory_space<vmem>> -> memref<1x128x128xf32, #tpu.memory_space<vmem>>
          %dma_wait3A_483 = tpu.memref_squeeze %dma_wait3A_482 : memref<1x128x128xf32, #tpu.memory_space<vmem>> -> memref<128x128xf32, #tpu.memory_space<vmem>>
          %dma_wait3A_484 = arith.constant 0 : i32
          %dma_wait3A_485 = tpu.memref_slice %arg7[%mul3A_423, %dma_wait3A_484] : memref<384x128xf32, #tpu.memory_space<vmem_shared>> -> memref<128x128xf32, #tpu.memory_space<vmem_shared>>
          tpu.wait_dma2 semaphore(%run_scoped3A_461 : memref<!tpu.dma_semaphore, #tpu.memory_space<semaphore_mem>>) src(%dma_wait3A_485 : memref<128x128xf32, #tpu.memory_space<vmem_shared>>) dst(%dma_wait3A_483 : memref<128x128xf32, #tpu.memory_space<vmem>>)
          tpu.yield
        }) : () -> ()
        %mul3A_425 = arith.constant 2 : i32
        %mul3A_426 = arith.muli %add3A_344, %mul3A_425 : i32
        %add3A_427 = arith.constant 0 : i32
        %add3A_428 = arith.addi %mul3A_426, %add3A_427 : i32
        %dma_start3A_429 = arith.constant 0 : i32
        %dma_start3A_430 = arith.constant 0 : i32
        %dma_start3A_431 = arith.constant 0 : i32
        %dma_start3A_432 = arith.constant 0 : i32
        %dma_start3A_433 = tpu.memref_slice %arg8[%dma_start3A_429, %dma_start3A_431, %dma_start3A_432] : memref<4x128x128xf32, #tpu.memory_space<vmem>> -> memref<1x64x128xf32, #tpu.memory_space<vmem>>
        %dma_start3A_434 = tpu.memref_squeeze %dma_start3A_433 : memref<1x64x128xf32, #tpu.memory_space<vmem>> -> memref<64x128xf32, #tpu.memory_space<vmem>>
        %dma_start3A_435 = arith.constant 0 : i32
        %dma_start3A_436 = tpu.memref_slice %arg6[%add3A_428, %dma_start3A_435] : memref<192x64xi32, #tpu.memory_space<vmem>> -> memref<1x64xi32, #tpu.memory_space<vmem>>
        %dma_start3A_437 = tpu.memref_squeeze %dma_start3A_436 : memref<1x64xi32, #tpu.memory_space<vmem>> -> memref<64xi32, #tpu.memory_space<vmem>>
        %dma_start3A_438 = arith.constant 0 : i32
        %dma_start3A_439 = arith.constant 0 : i32
        %dma_start3A_440 = tpu.memref_slice %arg3[%dma_start3A_438, %dma_start3A_439] : memref<30522x128xf32, #tpu.memory_space<hbm>> -> memref<30522x128xf32, #tpu.memory_space<hbm>>
        %dma_start3A_441 = tpu.memref_slice %arg9[%dma_start3A_430] : memref<4x!tpu.dma_semaphore, #tpu.memory_space<semaphore_mem>> -> memref<1x!tpu.dma_semaphore, #tpu.memory_space<semaphore_mem>>
        %dma_start3A_442 = tpu.memref_squeeze %dma_start3A_441 : memref<1x!tpu.dma_semaphore, #tpu.memory_space<semaphore_mem>> -> memref<!tpu.dma_semaphore, #tpu.memory_space<semaphore_mem>>
        tpu.enqueue_indirect_dma source(%dma_start3A_440 : memref<30522x128xf32, #tpu.memory_space<hbm>>) target(%dma_start3A_434 : memref<64x128xf32, #tpu.memory_space<vmem>>) offsets(%dma_start3A_437 : memref<64xi32, #tpu.memory_space<vmem>>) semaphore(%dma_start3A_442 : memref<!tpu.dma_semaphore, #tpu.memory_space<semaphore_mem>>) {add = true}
        %mul3A_443 = arith.constant 2 : i32
        %mul3A_444 = arith.muli %add3A_344, %mul3A_443 : i32
        %add3A_445 = arith.constant 1 : i32
        %add3A_446 = arith.addi %mul3A_444, %add3A_445 : i32
        %dma_start3A_447 = arith.constant 0 : i32
        %dma_start3A_448 = arith.constant 0 : i32
        %dma_start3A_449 = arith.constant 64 : i32
        %dma_start3A_450 = arith.constant 0 : i32
        %dma_start3A_451 = tpu.memref_slice %arg8[%dma_start3A_447, %dma_start3A_449, %dma_start3A_450] : memref<4x128x128xf32, #tpu.memory_space<vmem>> -> memref<1x64x128xf32, #tpu.memory_space<vmem>>
        %dma_start3A_452 = tpu.memref_squeeze %dma_start3A_451 : memref<1x64x128xf32, #tpu.memory_space<vmem>> -> memref<64x128xf32, #tpu.memory_space<vmem>>
        %dma_start3A_453 = arith.constant 0 : i32
        %dma_start3A_454 = tpu.memref_slice %arg6[%add3A_446, %dma_start3A_453] : memref<192x64xi32, #tpu.memory_space<vmem>> -> memref<1x64xi32, #tpu.memory_space<vmem>>
        %dma_start3A_455 = tpu.memref_squeeze %dma_start3A_454 : memref<1x64xi32, #tpu.memory_space<vmem>> -> memref<64xi32, #tpu.memory_space<vmem>>
        %dma_start3A_456 = arith.constant 0 : i32
        %dma_start3A_457 = arith.constant 0 : i32
        %dma_start3A_458 = tpu.memref_slice %arg3[%dma_start3A_456, %dma_start3A_457] : memref<30522x128xf32, #tpu.memory_space<hbm>> -> memref<30522x128xf32, #tpu.memory_space<hbm>>
        %dma_start3A_459 = tpu.memref_slice %arg9[%dma_start3A_448] : memref<4x!tpu.dma_semaphore, #tpu.memory_space<semaphore_mem>> -> memref<1x!tpu.dma_semaphore, #tpu.memory_space<semaphore_mem>>
        %dma_start3A_460 = tpu.memref_squeeze %dma_start3A_459 : memref<1x!tpu.dma_semaphore, #tpu.memory_space<semaphore_mem>> -> memref<!tpu.dma_semaphore, #tpu.memory_space<semaphore_mem>>
        tpu.enqueue_indirect_dma source(%dma_start3A_458 : memref<30522x128xf32, #tpu.memory_space<hbm>>) target(%dma_start3A_452 : memref<64x128xf32, #tpu.memory_space<vmem>>) offsets(%dma_start3A_455 : memref<64xi32, #tpu.memory_space<vmem>>) semaphore(%dma_start3A_460 : memref<!tpu.dma_semaphore, #tpu.memory_space<semaphore_mem>>) {add = true}
      } else {
      }
      %mul3A_350 = arith.constant 4 : i32
      %mul3A_351 = arith.muli %scan3A_152, %mul3A_350 : i32
      %add3A_352 = arith.constant 3 : i32
      %add3A_353 = arith.addi %mul3A_351, %add3A_352 : i32
      %mul3A_354 = arith.constant 2 : i32
      %mul3A_355 = arith.muli %add3A_353, %mul3A_354 : i32
      %add3A_356 = arith.constant 0 : i32
      %add3A_357 = arith.addi %mul3A_355, %add3A_356 : i32
      %dma_wait3A_358 = arith.constant 3 : i32
      %dma_wait3A_359 = arith.constant 3 : i32
      %dma_wait3A_360 = arith.constant 0 : i32
      %dma_wait3A_361 = arith.constant 0 : i32
      %dma_wait3A_362 = tpu.memref_slice %arg8[%dma_wait3A_358, %dma_wait3A_360, %dma_wait3A_361] : memref<4x128x128xf32, #tpu.memory_space<vmem>> -> memref<1x64x128xf32, #tpu.memory_space<vmem>>
      %dma_wait3A_363 = tpu.memref_squeeze %dma_wait3A_362 : memref<1x64x128xf32, #tpu.memory_space<vmem>> -> memref<64x128xf32, #tpu.memory_space<vmem>>
      %dma_wait3A_364 = arith.constant 0 : i32
      %dma_wait3A_365 = tpu.memref_slice %arg6[%add3A_357, %dma_wait3A_364] : memref<192x64xi32, #tpu.memory_space<vmem>> -> memref<1x64xi32, #tpu.memory_space<vmem>>
      %dma_wait3A_366 = tpu.memref_squeeze %dma_wait3A_365 : memref<1x64xi32, #tpu.memory_space<vmem>> -> memref<64xi32, #tpu.memory_space<vmem>>
      %dma_wait3A_367 = arith.constant 0 : i32
      %dma_wait3A_368 = arith.constant 0 : i32
      %dma_wait3A_369 = tpu.memref_slice %arg3[%dma_wait3A_367, %dma_wait3A_368] : memref<30522x128xf32, #tpu.memory_space<hbm>> -> memref<30522x128xf32, #tpu.memory_space<hbm>>
      %dma_wait3A_370 = tpu.memref_slice %arg9[%dma_wait3A_359] : memref<4x!tpu.dma_semaphore, #tpu.memory_space<semaphore_mem>> -> memref<1x!tpu.dma_semaphore, #tpu.memory_space<semaphore_mem>>
      %dma_wait3A_371 = tpu.memref_squeeze %dma_wait3A_370 : memref<1x!tpu.dma_semaphore, #tpu.memory_space<semaphore_mem>> -> memref<!tpu.dma_semaphore, #tpu.memory_space<semaphore_mem>>
      tpu.wait_indirect_dma semaphore(%dma_wait3A_371 : memref<!tpu.dma_semaphore, #tpu.memory_space<semaphore_mem>>) src(%dma_wait3A_369 : memref<30522x128xf32, #tpu.memory_space<hbm>>) dst(%dma_wait3A_363 : memref<64x128xf32, #tpu.memory_space<vmem>>)
      %mul3A_372 = arith.constant 2 : i32
      %mul3A_373 = arith.muli %add3A_353, %mul3A_372 : i32
      %add3A_374 = arith.constant 1 : i32
      %add3A_375 = arith.addi %mul3A_373, %add3A_374 : i32
      %dma_wait3A_376 = arith.constant 3 : i32
      %dma_wait3A_377 = arith.constant 3 : i32
      %dma_wait3A_378 = arith.constant 64 : i32
      %dma_wait3A_379 = arith.constant 0 : i32
      %dma_wait3A_380 = tpu.memref_slice %arg8[%dma_wait3A_376, %dma_wait3A_378, %dma_wait3A_379] : memref<4x128x128xf32, #tpu.memory_space<vmem>> -> memref<1x64x128xf32, #tpu.memory_space<vmem>>
      %dma_wait3A_381 = tpu.memref_squeeze %dma_wait3A_380 : memref<1x64x128xf32, #tpu.memory_space<vmem>> -> memref<64x128xf32, #tpu.memory_space<vmem>>
      %dma_wait3A_382 = arith.constant 0 : i32
      %dma_wait3A_383 = tpu.memref_slice %arg6[%add3A_375, %dma_wait3A_382] : memref<192x64xi32, #tpu.memory_space<vmem>> -> memref<1x64xi32, #tpu.memory_space<vmem>>
      %dma_wait3A_384 = tpu.memref_squeeze %dma_wait3A_383 : memref<1x64xi32, #tpu.memory_space<vmem>> -> memref<64xi32, #tpu.memory_space<vmem>>
      %dma_wait3A_385 = arith.constant 0 : i32
      %dma_wait3A_386 = arith.constant 0 : i32
      %dma_wait3A_387 = tpu.memref_slice %arg3[%dma_wait3A_385, %dma_wait3A_386] : memref<30522x128xf32, #tpu.memory_space<hbm>> -> memref<30522x128xf32, #tpu.memory_space<hbm>>
      %dma_wait3A_388 = tpu.memref_slice %arg9[%dma_wait3A_377] : memref<4x!tpu.dma_semaphore, #tpu.memory_space<semaphore_mem>> -> memref<1x!tpu.dma_semaphore, #tpu.memory_space<semaphore_mem>>
      %dma_wait3A_389 = tpu.memref_squeeze %dma_wait3A_388 : memref<1x!tpu.dma_semaphore, #tpu.memory_space<semaphore_mem>> -> memref<!tpu.dma_semaphore, #tpu.memory_space<semaphore_mem>>
      tpu.wait_indirect_dma semaphore(%dma_wait3A_389 : memref<!tpu.dma_semaphore, #tpu.memory_space<semaphore_mem>>) src(%dma_wait3A_387 : memref<30522x128xf32, #tpu.memory_space<hbm>>) dst(%dma_wait3A_381 : memref<64x128xf32, #tpu.memory_space<vmem>>)
      %add3A_390 = arith.addi %mul3A_2, %add3A_353 : i32
      %mul3A_391 = arith.constant 128 : i32
      %mul3A_392 = arith.muli %add3A_390, %mul3A_391 : i32
      %dma_start3A_393 = arith.constant 3 : i32
      %dma_start3A_394 = arith.constant 3 : i32
      %dma_start3A_395 = arith.constant 0 : i32
      %dma_start3A_396 = arith.constant 0 : i32
      %dma_start3A_397 = tpu.memref_slice %arg8[%dma_start3A_393, %dma_start3A_395, %dma_start3A_396] : memref<4x128x128xf32, #tpu.memory_space<vmem>> -> memref<1x128x128xf32, #tpu.memory_space<vmem>>
      %dma_start3A_398 = tpu.memref_squeeze %dma_start3A_397 : memref<1x128x128xf32, #tpu.memory_space<vmem>> -> memref<128x128xf32, #tpu.memory_space<vmem>>
      %dma_start3A_399 = arith.constant 0 : i32
      %dma_start3A_400 = tpu.memref_slice %arg5[%mul3A_392, %dma_start3A_399] : memref<393216x128xf32, #tpu.memory_space<hbm>> -> memref<128x128xf32, #tpu.memory_space<hbm>>
      %dma_start3A_401 = tpu.memref_slice %arg10[%dma_start3A_394] : memref<4x!tpu.dma_semaphore, #tpu.memory_space<semaphore_mem>> -> memref<1x!tpu.dma_semaphore, #tpu.memory_space<semaphore_mem>>
      %dma_start3A_402 = tpu.memref_squeeze %dma_start3A_401 : memref<1x!tpu.dma_semaphore, #tpu.memory_space<semaphore_mem>> -> memref<!tpu.dma_semaphore, #tpu.memory_space<semaphore_mem>>
      %dma_start3A_403 = arith.constant 0 : i32
      %dma_start3A_404 = tpu.memref_slice %arg5[%mul3A_392, %dma_start3A_403] : memref<393216x128xf32, #tpu.memory_space<hbm>> -> memref<128x128xf32, #tpu.memory_space<hbm>>
      %dma_start3A_405 = arith.constant 0 : i32
      %dma_start3A_406 = arith.constant 0 : i32
      %dma_start3A_407 = tpu.memref_slice %arg8[%dma_start3A_393, %dma_start3A_405, %dma_start3A_406] : memref<4x128x128xf32, #tpu.memory_space<vmem>> -> memref<1x128x128xf32, #tpu.memory_space<vmem>>
      %dma_start3A_408 = tpu.memref_squeeze %dma_start3A_407 : memref<1x128x128xf32, #tpu.memory_space<vmem>> -> memref<128x128xf32, #tpu.memory_space<vmem>>
      tpu.enqueue_dma source(%dma_start3A_408 : memref<128x128xf32, #tpu.memory_space<vmem>>) target(%dma_start3A_404 : memref<128x128xf32, #tpu.memory_space<hbm>>) target_semaphore(%dma_start3A_402 : memref<!tpu.dma_semaphore, #tpu.memory_space<semaphore_mem>>)
      %add3A_409 = arith.constant 2 : i32
      %add3A_410 = arith.addi %add3A_353, %add3A_409 : i32
      %lt3A_411 = arith.constant 96 : i32
      %lt3A_412 = arith.cmpi slt, %add3A_410, %lt3A_411 : i32
      %convert_element_type3A_413 = arith.extui %lt3A_412 : i1 to i32
      %cond3A_414 = arith.constant 0 : i32
      %cond3A_415 = arith.cmpi ne, %convert_element_type3A_413, %cond3A_414 : i32
      scf.if %cond3A_415 {
        %ge3A = arith.constant 2 : i32
        %ge3A_416 = arith.cmpi sge, %add3A_353, %ge3A : i32
        %convert_element_type3A_417 = arith.extui %ge3A_416 : i1 to i32
        %cond3A_418 = arith.constant 0 : i32
        %cond3A_419 = arith.cmpi ne, %convert_element_type3A_417, %cond3A_418 : i32
        scf.if %cond3A_419 {
          %dma_wait3A_461 = arith.constant 1 : i32
          %dma_wait3A_462 = arith.constant 1 : i32
          %dma_wait3A_463 = arith.constant 0 : i32
          %dma_wait3A_464 = arith.constant 0 : i32
          %dma_wait3A_465 = tpu.memref_slice %arg8[%dma_wait3A_461, %dma_wait3A_463, %dma_wait3A_464] : memref<4x128x128xf32, #tpu.memory_space<vmem>> -> memref<1x128x128xf32, #tpu.memory_space<vmem>>
          %dma_wait3A_466 = tpu.memref_squeeze %dma_wait3A_465 : memref<1x128x128xf32, #tpu.memory_space<vmem>> -> memref<128x128xf32, #tpu.memory_space<vmem>>
          %dma_wait3A_467 = arith.constant 0 : i32
          %dma_wait3A_468 = arith.constant 0 : i32
          %dma_wait3A_469 = tpu.memref_slice %arg5[%dma_wait3A_467, %dma_wait3A_468] : memref<393216x128xf32, #tpu.memory_space<hbm>> -> memref<128x128xf32, #tpu.memory_space<hbm>>
          %dma_wait3A_470 = tpu.memref_slice %arg10[%dma_wait3A_462] : memref<4x!tpu.dma_semaphore, #tpu.memory_space<semaphore_mem>> -> memref<1x!tpu.dma_semaphore, #tpu.memory_space<semaphore_mem>>
          %dma_wait3A_471 = tpu.memref_squeeze %dma_wait3A_470 : memref<1x!tpu.dma_semaphore, #tpu.memory_space<semaphore_mem>> -> memref<!tpu.dma_semaphore, #tpu.memory_space<semaphore_mem>>
          %dma_wait3A_472 = arith.constant 0 : i32
          %dma_wait3A_473 = arith.constant 0 : i32
          %dma_wait3A_474 = tpu.memref_slice %arg5[%dma_wait3A_472, %dma_wait3A_473] : memref<393216x128xf32, #tpu.memory_space<hbm>> -> memref<128x128xf32, #tpu.memory_space<hbm>>
          %dma_wait3A_475 = arith.constant 0 : i32
          %dma_wait3A_476 = arith.constant 0 : i32
          %dma_wait3A_477 = tpu.memref_slice %arg8[%dma_wait3A_461, %dma_wait3A_475, %dma_wait3A_476] : memref<4x128x128xf32, #tpu.memory_space<vmem>> -> memref<1x128x128xf32, #tpu.memory_space<vmem>>
          %dma_wait3A_478 = tpu.memref_squeeze %dma_wait3A_477 : memref<1x128x128xf32, #tpu.memory_space<vmem>> -> memref<128x128xf32, #tpu.memory_space<vmem>>
          tpu.wait_dma2 semaphore(%dma_wait3A_471 : memref<!tpu.dma_semaphore, #tpu.memory_space<semaphore_mem>>) src(%dma_wait3A_478 : memref<128x128xf32, #tpu.memory_space<vmem>>) dst(%dma_wait3A_474 : memref<128x128xf32, #tpu.memory_space<hbm>>)
        } else {
        }
        %rem3A_420 = arith.constant 3 : i32
        %rem3A_421 = arith.remsi %add3A_410, %rem3A_420 : i32
        %mul3A_422 = arith.constant 128 : i32
        %mul3A_423 = arith.muli %rem3A_421, %mul3A_422 : i32
        %run_scoped3A_424 = arith.constant 1 : i32
        "tpu.region"() ({
          %run_scoped3A_461 = tpu.sem_alloc : memref<!tpu.dma_semaphore, #tpu.memory_space<semaphore_mem>>
          %dma_start3A_462 = arith.constant 0 : i32
          %dma_start3A_463 = arith.constant 0 : i32
          %dma_start3A_464 = tpu.memref_slice %arg8[%run_scoped3A_424, %dma_start3A_462, %dma_start3A_463] : memref<4x128x128xf32, #tpu.memory_space<vmem>> -> memref<1x128x128xf32, #tpu.memory_space<vmem>>
          %dma_start3A_465 = tpu.memref_squeeze %dma_start3A_464 : memref<1x128x128xf32, #tpu.memory_space<vmem>> -> memref<128x128xf32, #tpu.memory_space<vmem>>
          %dma_start3A_466 = arith.constant 0 : i32
          %dma_start3A_467 = tpu.memref_slice %arg7[%mul3A_423, %dma_start3A_466] : memref<384x128xf32, #tpu.memory_space<vmem_shared>> -> memref<128x128xf32, #tpu.memory_space<vmem_shared>>
          %dma_start3A_468 = arith.constant 0 : i32
          %dma_start3A_469 = arith.constant 0 : i32
          %dma_start3A_470 = tpu.memref_slice %arg8[%run_scoped3A_424, %dma_start3A_468, %dma_start3A_469] : memref<4x128x128xf32, #tpu.memory_space<vmem>> -> memref<1x128x128xf32, #tpu.memory_space<vmem>>
          %dma_start3A_471 = tpu.memref_squeeze %dma_start3A_470 : memref<1x128x128xf32, #tpu.memory_space<vmem>> -> memref<128x128xf32, #tpu.memory_space<vmem>>
          %dma_start3A_472 = arith.constant 0 : i32
          %dma_start3A_473 = tpu.memref_slice %arg7[%mul3A_423, %dma_start3A_472] : memref<384x128xf32, #tpu.memory_space<vmem_shared>> -> memref<128x128xf32, #tpu.memory_space<vmem_shared>>
          tpu.enqueue_dma source(%dma_start3A_473 : memref<128x128xf32, #tpu.memory_space<vmem_shared>>) target(%dma_start3A_471 : memref<128x128xf32, #tpu.memory_space<vmem>>) target_semaphore(%run_scoped3A_461 : memref<!tpu.dma_semaphore, #tpu.memory_space<semaphore_mem>>)
          %dma_wait3A_474 = arith.constant 0 : i32
          %dma_wait3A_475 = arith.constant 0 : i32
          %dma_wait3A_476 = tpu.memref_slice %arg8[%run_scoped3A_424, %dma_wait3A_474, %dma_wait3A_475] : memref<4x128x128xf32, #tpu.memory_space<vmem>> -> memref<1x128x128xf32, #tpu.memory_space<vmem>>
          %dma_wait3A_477 = tpu.memref_squeeze %dma_wait3A_476 : memref<1x128x128xf32, #tpu.memory_space<vmem>> -> memref<128x128xf32, #tpu.memory_space<vmem>>
          %dma_wait3A_478 = arith.constant 0 : i32
          %dma_wait3A_479 = tpu.memref_slice %arg7[%mul3A_423, %dma_wait3A_478] : memref<384x128xf32, #tpu.memory_space<vmem_shared>> -> memref<128x128xf32, #tpu.memory_space<vmem_shared>>
          %dma_wait3A_480 = arith.constant 0 : i32
          %dma_wait3A_481 = arith.constant 0 : i32
          %dma_wait3A_482 = tpu.memref_slice %arg8[%run_scoped3A_424, %dma_wait3A_480, %dma_wait3A_481] : memref<4x128x128xf32, #tpu.memory_space<vmem>> -> memref<1x128x128xf32, #tpu.memory_space<vmem>>
          %dma_wait3A_483 = tpu.memref_squeeze %dma_wait3A_482 : memref<1x128x128xf32, #tpu.memory_space<vmem>> -> memref<128x128xf32, #tpu.memory_space<vmem>>
          %dma_wait3A_484 = arith.constant 0 : i32
          %dma_wait3A_485 = tpu.memref_slice %arg7[%mul3A_423, %dma_wait3A_484] : memref<384x128xf32, #tpu.memory_space<vmem_shared>> -> memref<128x128xf32, #tpu.memory_space<vmem_shared>>
          tpu.wait_dma2 semaphore(%run_scoped3A_461 : memref<!tpu.dma_semaphore, #tpu.memory_space<semaphore_mem>>) src(%dma_wait3A_485 : memref<128x128xf32, #tpu.memory_space<vmem_shared>>) dst(%dma_wait3A_483 : memref<128x128xf32, #tpu.memory_space<vmem>>)
          tpu.yield
        }) : () -> ()
        %mul3A_425 = arith.constant 2 : i32
        %mul3A_426 = arith.muli %add3A_410, %mul3A_425 : i32
        %add3A_427 = arith.constant 0 : i32
        %add3A_428 = arith.addi %mul3A_426, %add3A_427 : i32
        %dma_start3A_429 = arith.constant 1 : i32
        %dma_start3A_430 = arith.constant 1 : i32
        %dma_start3A_431 = arith.constant 0 : i32
        %dma_start3A_432 = arith.constant 0 : i32
        %dma_start3A_433 = tpu.memref_slice %arg8[%dma_start3A_429, %dma_start3A_431, %dma_start3A_432] : memref<4x128x128xf32, #tpu.memory_space<vmem>> -> memref<1x64x128xf32, #tpu.memory_space<vmem>>
        %dma_start3A_434 = tpu.memref_squeeze %dma_start3A_433 : memref<1x64x128xf32, #tpu.memory_space<vmem>> -> memref<64x128xf32, #tpu.memory_space<vmem>>
        %dma_start3A_435 = arith.constant 0 : i32
        %dma_start3A_436 = tpu.memref_slice %arg6[%add3A_428, %dma_start3A_435] : memref<192x64xi32, #tpu.memory_space<vmem>> -> memref<1x64xi32, #tpu.memory_space<vmem>>
        %dma_start3A_437 = tpu.memref_squeeze %dma_start3A_436 : memref<1x64xi32, #tpu.memory_space<vmem>> -> memref<64xi32, #tpu.memory_space<vmem>>
        %dma_start3A_438 = arith.constant 0 : i32
        %dma_start3A_439 = arith.constant 0 : i32
        %dma_start3A_440 = tpu.memref_slice %arg3[%dma_start3A_438, %dma_start3A_439] : memref<30522x128xf32, #tpu.memory_space<hbm>> -> memref<30522x128xf32, #tpu.memory_space<hbm>>
        %dma_start3A_441 = tpu.memref_slice %arg9[%dma_start3A_430] : memref<4x!tpu.dma_semaphore, #tpu.memory_space<semaphore_mem>> -> memref<1x!tpu.dma_semaphore, #tpu.memory_space<semaphore_mem>>
        %dma_start3A_442 = tpu.memref_squeeze %dma_start3A_441 : memref<1x!tpu.dma_semaphore, #tpu.memory_space<semaphore_mem>> -> memref<!tpu.dma_semaphore, #tpu.memory_space<semaphore_mem>>
        tpu.enqueue_indirect_dma source(%dma_start3A_440 : memref<30522x128xf32, #tpu.memory_space<hbm>>) target(%dma_start3A_434 : memref<64x128xf32, #tpu.memory_space<vmem>>) offsets(%dma_start3A_437 : memref<64xi32, #tpu.memory_space<vmem>>) semaphore(%dma_start3A_442 : memref<!tpu.dma_semaphore, #tpu.memory_space<semaphore_mem>>) {add = true}
        %mul3A_443 = arith.constant 2 : i32
        %mul3A_444 = arith.muli %add3A_410, %mul3A_443 : i32
        %add3A_445 = arith.constant 1 : i32
        %add3A_446 = arith.addi %mul3A_444, %add3A_445 : i32
        %dma_start3A_447 = arith.constant 1 : i32
        %dma_start3A_448 = arith.constant 1 : i32
        %dma_start3A_449 = arith.constant 64 : i32
        %dma_start3A_450 = arith.constant 0 : i32
        %dma_start3A_451 = tpu.memref_slice %arg8[%dma_start3A_447, %dma_start3A_449, %dma_start3A_450] : memref<4x128x128xf32, #tpu.memory_space<vmem>> -> memref<1x64x128xf32, #tpu.memory_space<vmem>>
        %dma_start3A_452 = tpu.memref_squeeze %dma_start3A_451 : memref<1x64x128xf32, #tpu.memory_space<vmem>> -> memref<64x128xf32, #tpu.memory_space<vmem>>
        %dma_start3A_453 = arith.constant 0 : i32
        %dma_start3A_454 = tpu.memref_slice %arg6[%add3A_446, %dma_start3A_453] : memref<192x64xi32, #tpu.memory_space<vmem>> -> memref<1x64xi32, #tpu.memory_space<vmem>>
        %dma_start3A_455 = tpu.memref_squeeze %dma_start3A_454 : memref<1x64xi32, #tpu.memory_space<vmem>> -> memref<64xi32, #tpu.memory_space<vmem>>
        %dma_start3A_456 = arith.constant 0 : i32
        %dma_start3A_457 = arith.constant 0 : i32
        %dma_start3A_458 = tpu.memref_slice %arg3[%dma_start3A_456, %dma_start3A_457] : memref<30522x128xf32, #tpu.memory_space<hbm>> -> memref<30522x128xf32, #tpu.memory_space<hbm>>
        %dma_start3A_459 = tpu.memref_slice %arg9[%dma_start3A_448] : memref<4x!tpu.dma_semaphore, #tpu.memory_space<semaphore_mem>> -> memref<1x!tpu.dma_semaphore, #tpu.memory_space<semaphore_mem>>
        %dma_start3A_460 = tpu.memref_squeeze %dma_start3A_459 : memref<1x!tpu.dma_semaphore, #tpu.memory_space<semaphore_mem>> -> memref<!tpu.dma_semaphore, #tpu.memory_space<semaphore_mem>>
        tpu.enqueue_indirect_dma source(%dma_start3A_458 : memref<30522x128xf32, #tpu.memory_space<hbm>>) target(%dma_start3A_452 : memref<64x128xf32, #tpu.memory_space<vmem>>) offsets(%dma_start3A_455 : memref<64xi32, #tpu.memory_space<vmem>>) semaphore(%dma_start3A_460 : memref<!tpu.dma_semaphore, #tpu.memory_space<semaphore_mem>>) {add = true}
      } else {
      }
    }
    %scan3A_80 = arith.constant 24 : i32
    %dma_wait3A = arith.constant 0 : i32
    %dma_wait3A_81 = arith.constant 0 : i32
    %dma_wait3A_82 = arith.constant 0 : i32
    %dma_wait3A_83 = arith.constant 0 : i32
    %dma_wait3A_84 = tpu.memref_slice %arg8[%dma_wait3A, %dma_wait3A_82, %dma_wait3A_83] : memref<4x128x128xf32, #tpu.memory_space<vmem>> -> memref<1x128x128xf32, #tpu.memory_space<vmem>>
    %dma_wait3A_85 = tpu.memref_squeeze %dma_wait3A_84 : memref<1x128x128xf32, #tpu.memory_space<vmem>> -> memref<128x128xf32, #tpu.memory_space<vmem>>
    %dma_wait3A_86 = arith.constant 0 : i32
    %dma_wait3A_87 = arith.constant 0 : i32
    %dma_wait3A_88 = tpu.memref_slice %arg5[%dma_wait3A_86, %dma_wait3A_87] : memref<393216x128xf32, #tpu.memory_space<hbm>> -> memref<128x128xf32, #tpu.memory_space<hbm>>
    %dma_wait3A_89 = tpu.memref_slice %arg10[%dma_wait3A_81] : memref<4x!tpu.dma_semaphore, #tpu.memory_space<semaphore_mem>> -> memref<1x!tpu.dma_semaphore, #tpu.memory_space<semaphore_mem>>
    %dma_wait3A_90 = tpu.memref_squeeze %dma_wait3A_89 : memref<1x!tpu.dma_semaphore, #tpu.memory_space<semaphore_mem>> -> memref<!tpu.dma_semaphore, #tpu.memory_space<semaphore_mem>>
    %dma_wait3A_91 = arith.constant 0 : i32
    %dma_wait3A_92 = arith.constant 0 : i32
    %dma_wait3A_93 = tpu.memref_slice %arg5[%dma_wait3A_91, %dma_wait3A_92] : memref<393216x128xf32, #tpu.memory_space<hbm>> -> memref<128x128xf32, #tpu.memory_space<hbm>>
    %dma_wait3A_94 = arith.constant 0 : i32
    %dma_wait3A_95 = arith.constant 0 : i32
    %dma_wait3A_96 = tpu.memref_slice %arg8[%dma_wait3A, %dma_wait3A_94, %dma_wait3A_95] : memref<4x128x128xf32, #tpu.memory_space<vmem>> -> memref<1x128x128xf32, #tpu.memory_space<vmem>>
    %dma_wait3A_97 = tpu.memref_squeeze %dma_wait3A_96 : memref<1x128x128xf32, #tpu.memory_space<vmem>> -> memref<128x128xf32, #tpu.memory_space<vmem>>
    tpu.wait_dma2 semaphore(%dma_wait3A_90 : memref<!tpu.dma_semaphore, #tpu.memory_space<semaphore_mem>>) src(%dma_wait3A_97 : memref<128x128xf32, #tpu.memory_space<vmem>>) dst(%dma_wait3A_93 : memref<128x128xf32, #tpu.memory_space<hbm>>)
    %dma_wait3A_98 = arith.constant 1 : i32
    %dma_wait3A_99 = arith.constant 1 : i32
    %dma_wait3A_100 = arith.constant 0 : i32
    %dma_wait3A_101 = arith.constant 0 : i32
    %dma_wait3A_102 = tpu.memref_slice %arg8[%dma_wait3A_98, %dma_wait3A_100, %dma_wait3A_101] : memref<4x128x128xf32, #tpu.memory_space<vmem>> -> memref<1x128x128xf32, #tpu.memory_space<vmem>>
    %dma_wait3A_103 = tpu.memref_squeeze %dma_wait3A_102 : memref<1x128x128xf32, #tpu.memory_space<vmem>> -> memref<128x128xf32, #tpu.memory_space<vmem>>
    %dma_wait3A_104 = arith.constant 0 : i32
    %dma_wait3A_105 = arith.constant 0 : i32
    %dma_wait3A_106 = tpu.memref_slice %arg5[%dma_wait3A_104, %dma_wait3A_105] : memref<393216x128xf32, #tpu.memory_space<hbm>> -> memref<128x128xf32, #tpu.memory_space<hbm>>
    %dma_wait3A_107 = tpu.memref_slice %arg10[%dma_wait3A_99] : memref<4x!tpu.dma_semaphore, #tpu.memory_space<semaphore_mem>> -> memref<1x!tpu.dma_semaphore, #tpu.memory_space<semaphore_mem>>
    %dma_wait3A_108 = tpu.memref_squeeze %dma_wait3A_107 : memref<1x!tpu.dma_semaphore, #tpu.memory_space<semaphore_mem>> -> memref<!tpu.dma_semaphore, #tpu.memory_space<semaphore_mem>>
    %dma_wait3A_109 = arith.constant 0 : i32
    %dma_wait3A_110 = arith.constant 0 : i32
    %dma_wait3A_111 = tpu.memref_slice %arg5[%dma_wait3A_109, %dma_wait3A_110] : memref<393216x128xf32, #tpu.memory_space<hbm>> -> memref<128x128xf32, #tpu.memory_space<hbm>>
    %dma_wait3A_112 = arith.constant 0 : i32
    %dma_wait3A_113 = arith.constant 0 : i32
    %dma_wait3A_114 = tpu.memref_slice %arg8[%dma_wait3A_98, %dma_wait3A_112, %dma_wait3A_113] : memref<4x128x128xf32, #tpu.memory_space<vmem>> -> memref<1x128x128xf32, #tpu.memory_space<vmem>>
    %dma_wait3A_115 = tpu.memref_squeeze %dma_wait3A_114 : memref<1x128x128xf32, #tpu.memory_space<vmem>> -> memref<128x128xf32, #tpu.memory_space<vmem>>
    tpu.wait_dma2 semaphore(%dma_wait3A_108 : memref<!tpu.dma_semaphore, #tpu.memory_space<semaphore_mem>>) src(%dma_wait3A_115 : memref<128x128xf32, #tpu.memory_space<vmem>>) dst(%dma_wait3A_111 : memref<128x128xf32, #tpu.memory_space<hbm>>)
    %dma_wait3A_116 = arith.constant 2 : i32
    %dma_wait3A_117 = arith.constant 2 : i32
    %dma_wait3A_118 = arith.constant 0 : i32
    %dma_wait3A_119 = arith.constant 0 : i32
    %dma_wait3A_120 = tpu.memref_slice %arg8[%dma_wait3A_116, %dma_wait3A_118, %dma_wait3A_119] : memref<4x128x128xf32, #tpu.memory_space<vmem>> -> memref<1x128x128xf32, #tpu.memory_space<vmem>>
    %dma_wait3A_121 = tpu.memref_squeeze %dma_wait3A_120 : memref<1x128x128xf32, #tpu.memory_space<vmem>> -> memref<128x128xf32, #tpu.memory_space<vmem>>
    %dma_wait3A_122 = arith.constant 0 : i32
    %dma_wait3A_123 = arith.constant 0 : i32
    %dma_wait3A_124 = tpu.memref_slice %arg5[%dma_wait3A_122, %dma_wait3A_123] : memref<393216x128xf32, #tpu.memory_space<hbm>> -> memref<128x128xf32, #tpu.memory_space<hbm>>
    %dma_wait3A_125 = tpu.memref_slice %arg10[%dma_wait3A_117] : memref<4x!tpu.dma_semaphore, #tpu.memory_space<semaphore_mem>> -> memref<1x!tpu.dma_semaphore, #tpu.memory_space<semaphore_mem>>
    %dma_wait3A_126 = tpu.memref_squeeze %dma_wait3A_125 : memref<1x!tpu.dma_semaphore, #tpu.memory_space<semaphore_mem>> -> memref<!tpu.dma_semaphore, #tpu.memory_space<semaphore_mem>>
    %dma_wait3A_127 = arith.constant 0 : i32
    %dma_wait3A_128 = arith.constant 0 : i32
    %dma_wait3A_129 = tpu.memref_slice %arg5[%dma_wait3A_127, %dma_wait3A_128] : memref<393216x128xf32, #tpu.memory_space<hbm>> -> memref<128x128xf32, #tpu.memory_space<hbm>>
    %dma_wait3A_130 = arith.constant 0 : i32
    %dma_wait3A_131 = arith.constant 0 : i32
    %dma_wait3A_132 = tpu.memref_slice %arg8[%dma_wait3A_116, %dma_wait3A_130, %dma_wait3A_131] : memref<4x128x128xf32, #tpu.memory_space<vmem>> -> memref<1x128x128xf32, #tpu.memory_space<vmem>>
    %dma_wait3A_133 = tpu.memref_squeeze %dma_wait3A_132 : memref<1x128x128xf32, #tpu.memory_space<vmem>> -> memref<128x128xf32, #tpu.memory_space<vmem>>
    tpu.wait_dma2 semaphore(%dma_wait3A_126 : memref<!tpu.dma_semaphore, #tpu.memory_space<semaphore_mem>>) src(%dma_wait3A_133 : memref<128x128xf32, #tpu.memory_space<vmem>>) dst(%dma_wait3A_129 : memref<128x128xf32, #tpu.memory_space<hbm>>)
    %dma_wait3A_134 = arith.constant 3 : i32
    %dma_wait3A_135 = arith.constant 3 : i32
    %dma_wait3A_136 = arith.constant 0 : i32
    %dma_wait3A_137 = arith.constant 0 : i32
    %dma_wait3A_138 = tpu.memref_slice %arg8[%dma_wait3A_134, %dma_wait3A_136, %dma_wait3A_137] : memref<4x128x128xf32, #tpu.memory_space<vmem>> -> memref<1x128x128xf32, #tpu.memory_space<vmem>>
    %dma_wait3A_139 = tpu.memref_squeeze %dma_wait3A_138 : memref<1x128x128xf32, #tpu.memory_space<vmem>> -> memref<128x128xf32, #tpu.memory_space<vmem>>
    %dma_wait3A_140 = arith.constant 0 : i32
    %dma_wait3A_141 = arith.constant 0 : i32
    %dma_wait3A_142 = tpu.memref_slice %arg5[%dma_wait3A_140, %dma_wait3A_141] : memref<393216x128xf32, #tpu.memory_space<hbm>> -> memref<128x128xf32, #tpu.memory_space<hbm>>
    %dma_wait3A_143 = tpu.memref_slice %arg10[%dma_wait3A_135] : memref<4x!tpu.dma_semaphore, #tpu.memory_space<semaphore_mem>> -> memref<1x!tpu.dma_semaphore, #tpu.memory_space<semaphore_mem>>
    %dma_wait3A_144 = tpu.memref_squeeze %dma_wait3A_143 : memref<1x!tpu.dma_semaphore, #tpu.memory_space<semaphore_mem>> -> memref<!tpu.dma_semaphore, #tpu.memory_space<semaphore_mem>>
    %dma_wait3A_145 = arith.constant 0 : i32
    %dma_wait3A_146 = arith.constant 0 : i32
    %dma_wait3A_147 = tpu.memref_slice %arg5[%dma_wait3A_145, %dma_wait3A_146] : memref<393216x128xf32, #tpu.memory_space<hbm>> -> memref<128x128xf32, #tpu.memory_space<hbm>>
    %dma_wait3A_148 = arith.constant 0 : i32
    %dma_wait3A_149 = arith.constant 0 : i32
    %dma_wait3A_150 = tpu.memref_slice %arg8[%dma_wait3A_134, %dma_wait3A_148, %dma_wait3A_149] : memref<4x128x128xf32, #tpu.memory_space<vmem>> -> memref<1x128x128xf32, #tpu.memory_space<vmem>>
    %dma_wait3A_151 = tpu.memref_squeeze %dma_wait3A_150 : memref<1x128x128xf32, #tpu.memory_space<vmem>> -> memref<128x128xf32, #tpu.memory_space<vmem>>
    tpu.wait_dma2 semaphore(%dma_wait3A_144 : memref<!tpu.dma_semaphore, #tpu.memory_space<semaphore_mem>>) src(%dma_wait3A_151 : memref<128x128xf32, #tpu.memory_space<vmem>>) dst(%dma_wait3A_147 : memref<128x128xf32, #tpu.memory_space<hbm>>)
    return
  }
}

</mosaic_0001>

<sc_bundles>
// kernel: _run.3.cloned.1.call-start
scs
__scs_entry_jumppad:
0x0: {  	(pc) =	sbr.rel $0x88, $3  }
0x1: {  	(tag) =	ssettag $0x0;
	lr =	simm.s32 $0x1  }
0x2: {  	[smem:$0x3F9E] =	sst lr;
	_ =	strace $0xD0000000  }
0x3: {  	_ = 	snop  }
0x4: {  	_ = 	snop  }
0x5: {  	_ = 	snop  }
0x6: {  	_ = 	snop  }
0x7: {  	_ = 	snop  }
__scs_overlays_trampoline_lowered:
0x8: {  	[smem:$0x3FAD] =	sst s0  }
0x9: {  	[smem:$0x3FAE] =	sst s1  }
0xa: {  	[smem:$0x3FAF] =	sst s2  }
0xb: {  	[smem:$0x3FB0] =	sst s3  }
0xc: {  	[smem:$0x3FB1] =	sst s4  }
0xd: {  	[smem:$0x3FB2] =	sst s5  }
0xe: {  	[smem:$0x3FB3] =	sst s6  }
0xf: {  	[smem:$0x3FB4] =	sst s7  }
0x10: {  	[smem:$0x3FB5] =	sst s8  }
0x11: {  	[smem:$0x3FB6] =	sst s9;
	s0 =	simm.s32 @!p0 $0x0  }
0x12: {  	s1 =	sld [smem:$0x3F9C];
	s0 =	simm.s32 @p0 $0x1  }
0x13: {  	[smem:$0x3FB7] =	sst s0;
	s0 =	simm.s32 @!p1 $0x0  }
0x14: {  	s2 =	sld [smem:$0x3F9B];
	s0 =	simm.s32 @p1 $0x1  }
0x15: {  	[smem:$0x3FB8] =	sst s0;
	s0 =	simm.s32 @!p2 $0x0  }
0x16: {  	s3 =	sld [smem:$0x3FDB];
	s0 =	simm.s32 @p2 $0x1  }
0x17: {  	s4 =	simm.s32 $0x1BF5;
	[smem:$0x3FBA] =	sst s0  }
0x18: {  	s0 =	sld [smem:$0x3F9D];
	_ =	swait.ge [sflag:s4], $0x0  }
0x19: {  	s7 =	sld [smem:$0x3F9E]  }
0x1a: {  	s8 =	sadd.s32 $0xFFFFE003, lr  }
0x1b: {  	s9 =	sadd.s32 $0xFFFFFEF7, lr;
	s5 =	simm.s32 $0xFFFFFFFF;
	p2 =	slt.u32 s8, $0xFFFFF086  }
0x1c: {  	p1 =	slt.u32 s9, $0xF7A;
	s5 =	simm.s32 @!p2 $0x0  }
0x1d: {  	s5 =	simm.s32 @p1 $0x1;
	p0 =	seq.s32 s7, s2  }
0x1e: {  	s7 =	smul.u32 @!p0 $0xF7A, s2;
	p2 =	seq.s32 @!p0 s5, $0x0  }
0x1f: {  	s9 =	smul.u32 $0xF7A, s1;
	s8 =	simm.s32 @!p0 $0x1BF5;
	p2 =	por !p2, p0  }
0x20: {  	[sflag:s8] =	ssyncset.s32 @!p0 $0xFFFFF086;
	s6 =	sadd.s32 @!p0 s3, s7;
	s7 =	simm.s32 @!p0 $0x108  }
0x21: {  	s3 =	sadd.s32 s3, s9;
	s6 =	sadd.s32 @!p0 $0x88, s6;
	s7 =	simm.s32 @p2 $0x1082  }
0x22: {  	[simem:s7], [sflag:s8] =	dma.local @!p0 [hbm:s6], $0xF7A  }
0x23: {  	s9 =	sor.u32 $0xD0000000, s2;
	s6 =	simm.s32 $0x108;
	_ =	swait.ge @!p0 [sflag:s8], $0x0  }
0x24: {  	s3 =	sadd.s32 $0x88, s3;
	s6 =	simm.s32 @!p1 $0x1082;
	[sflag:s4] =	ssyncset.s32 $0xFFFFF086  }
0x25: {  	[simem:s6], [sflag:s4] =	dma.local [hbm:s3], $0xF7A  }
0x26: {  	[smem:$0x3F9E] =	sst s1;
	(tag) =	ssettag s2;
	_ =	strace s9  }
0x27: {  	s1 =	sld [smem:$0x3FAE]  }
0x28: {  	s2 =	sld [smem:$0x3FAF]  }
0x29: {  	s4 =	sld [smem:$0x3FB1]  }
0x2a: {  	p0 =	seq.s32 s5, $0x0;
	s5 =	sld [smem:$0x3FB2]  }
0x2b: {  	s6 =	sld [smem:$0x3FB3]  }
0x2c: {  	s7 =	sld [smem:$0x3FB4]  }
0x2d: {  	s3 =	simm.s32 $0x108;
	s8 =	sld [smem:$0x3FB5]  }
0x2e: {  	s3 =	simm.s32 @!p0 $0x1082;
	s9 =	sld [smem:$0x3FB6]  }
0x2f: {  	lr =	sadd.s32 s0, s3;
	s0 =	sld [smem:$0x3FAD]  }
0x30: {  	s3 =	sld [smem:$0x3FB0]  }
0x31: {  	[smem:$0x3FB9] =	sst s10  }
0x32: {  	s10 =	sld [smem:$0x3FB7];
	_ =	sdelay $0x3  }
0x33: {  	p0 =	seq.s32 s10, $0x1;
	s10 =	sld [smem:$0x3FB9];
	_ =	sdelay $0x3  }
0x34: {  	[smem:$0x3FB9] =	sst s10  }
0x35: {  	s10 =	sld [smem:$0x3FB8];
	_ =	sdelay $0x3  }
0x36: {  	p1 =	seq.s32 s10, $0x1;
	s10 =	sld [smem:$0x3FB9];
	_ =	sdelay $0x3  }
0x37: {  	[smem:$0x3FB9] =	sst s10  }
0x38: {  	s10 =	sld [smem:$0x3FBA]  }
0x39: {  	_ = 	snop;
	(pc) =	sbr.ind lr, $3  }
0x3a: {  	_ = 	snop  }
0x3b: {  	_ = 	snop  }
0x3c: {  	p2 =	seq.s32 s10, $0x1;
	s10 =	sld [smem:$0x3FB9]  }
0x3d: {  	_ =	shalt  }
0x3e: {  	_ =	shalt  }
0x3f: {  	_ =	shalt  }
0x40: {  	_ =	shalt  }
0x41: {  	_ =	shalt  }
0x42: {  	_ =	shalt  }
0x43: {  	_ =	shalt  }
0x44: {  	_ =	shalt  }
0x45: {  	_ =	shalt  }
0x46: {  	_ =	shalt  }
0x47: {  	_ =	shalt  }
0x48: {  	_ =	shalt  }
0x49: {  	_ =	shalt  }
0x4a: {  	_ =	shalt  }
0x4b: {  	_ =	shalt  }
0x4c: {  	_ =	shalt  }
0x4d: {  	_ =	shalt  }
0x4e: {  	_ =	shalt  }
0x4f: {  	_ =	shalt  }
0x50: {  	_ =	shalt  }
0x51: {  	_ =	shalt  }
0x52: {  	_ =	shalt  }
0x53: {  	_ =	shalt  }
0x54: {  	_ =	shalt  }
0x55: {  	_ =	shalt  }
0x56: {  	_ =	shalt  }
0x57: {  	_ =	shalt  }
0x58: {  	_ =	shalt  }
0x59: {  	_ =	shalt  }
0x5a: {  	_ =	shalt  }
0x5b: {  	_ =	shalt  }
0x5c: {  	_ =	shalt  }
0x5d: {  	_ =	shalt  }
0x5e: {  	_ =	shalt  }
0x5f: {  	_ =	shalt  }
0x60: {  	_ =	shalt  }
0x61: {  	_ =	shalt  }
0x62: {  	_ =	shalt  }
0x63: {  	_ =	shalt  }
0x64: {  	_ =	shalt  }
0x65: {  	_ =	shalt  }
0x66: {  	_ =	shalt  }
0x67: {  	_ =	shalt  }
0x68: {  	_ =	shalt  }
0x69: {  	_ =	shalt  }
0x6a: {  	_ =	shalt  }
0x6b: {  	_ =	shalt  }
0x6c: {  	_ =	shalt  }
0x6d: {  	_ =	shalt  }
0x6e: {  	_ =	shalt  }
0x6f: {  	_ =	shalt  }
0x70: {  	_ =	shalt  }
0x71: {  	_ =	shalt  }
0x72: {  	_ =	shalt  }
0x73: {  	_ =	shalt  }
0x74: {  	_ =	shalt  }
0x75: {  	_ =	shalt  }
0x76: {  	_ =	shalt  }
0x77: {  	_ =	shalt  }
0x78: {  	_ =	shalt  }
0x79: {  	_ =	shalt  }
0x7a: {  	_ =	shalt  }
0x7b: {  	_ =	shalt  }
0x7c: {  	_ =	shalt  }
0x7d: {  	_ =	shalt  }
0x7e: {  	_ =	shalt  }
0x7f: {  	_ =	shalt  }
0x80: {  	_ =	shalt  }
0x81: {  	_ =	shalt  }
0x82: {  	_ =	shalt  }
0x83: {  	_ =	shalt  }
0x84: {  	_ =	shalt  }
0x85: {  	_ =	shalt  }
0x86: {  	_ =	shalt  }
0x87: {  	_ =	shalt  }
.Lfunc_end0:
.L_simem_size_0:
called_computation_lowered:
.L_overlay_start_0:
0x88: {  	s2 =	sld [smem:$0x3FD9]  }
0x89: {  	s3 =	sld [smem:$0x3FFE];
	_ =	sdelay $0x1  }
0x8a: {  	s1 =	srdreg.scid  }
0x8b: {  	s0 =	sand.u32 $0x1, s1  }
0x8c: {  	s17 =	sshll.u32 s0, $0xA;
	s2 =	sadd.s32 s3, s2  }
0x8d: {  	s2 =	sadd.s32 s2, s17  }
0x8e: {  	[smem:$0x3FC5] =	sst s2  }
0x8f: {  	_ = 	snop  }
0x90: {  	s2 =	sld [smem:$0x3FC8]  }
0x91: {  	s18 =	sld [smem:$0x3FC7]  }
0x92: {  	s4 =	sld [smem:$0x3FD0];
	(tm) =	ssettm $0x1  }
0x93: {  	s5 =	sld [smem:$0x3FFB];
	_ =	sdelay $0x3  }
0x94: {  	_ =	strace s5  }
0x95: {  	s5 =	sld [smem:$0x3FFC];
	_ =	sdelay $0x3  }
0x96: {  	_ =	strace s5  }
0x97: {  	s5 =	sld [smem:$0x3FFD];
	_ =	sdelay $0x3  }
0x98: {  	_ =	strace s5  }
0x99: {  	_ =	strace $0x8FFFFFFF  }
0x9a: {  	s19 =	sld [smem:$0x3FDB];
	_ =	sdelay $0x1  }
0x9b: {  	s6 =	simm.s32 $_scs_section_size  }
0x9c: {  	s7 =	simm.s32 $_size__tile_overlayer_lowered;
	s8 =	simm.s32 $_tile_overlayer_lowered  }
0x9d: {  	s22 =	simm.s32 $0x1BFF;
	s21 =	sshll.u32 s8, $0x1;
	s5 =	sadd.s32 s6, s19  }
0x9e: {  	s9 =	simm.s32 $0x0;
	s20 =	sshll.u32 s7, $0x1;
	s7 =	sadd.s32 s21, s5  }
0x9f: {  	[timem:s9], [sflag:s22] =	dma.local [hbm:s7], s20  }
0xa0: {  	_ =	swait.ge [sflag:s22], s20  }
0xa1: {  	s6 =	ssub.s32 $0x0, s20;
	[sflag:s22] =	ssyncset.done $0x0  }
0xa2: {  	[sflag:s22] =	ssyncadd.s32 s6;
	_ =	sdelay $0x1  }
0xa3: {  	s23 =	simm.s32 $0x1B8B  }
0xa4: {  	_ =	swait.ge [sflag:s23], $0x1  }
0xa5: {  	[sflag:s23] =	ssyncset.done $0x0  }
0xa6: {  	s25 =	simm.s32 $0x1B8E;
	s24 =	sld [smem:$0x3FFE];
	[sflag:s23] =	ssyncadd.s32 $0xFFFFFFFF  }
0xa7: {  	s26 =	simm.s32 $execute0_lowered;
	[smem:$0x3FD2] =	sst s25  }
0xa8: {  	s7 =	sshll.u32 s26, $0x1;
	_ =	strace $0x80000046;
	[dreg:$0x1] =	wrdreg $0xFFFFFFFF  }
0xa9: {  	s28 =	simm.s32 $_size_execute0_lowered;
	s5 =	sadd.s32 s5, s7;
	[dreg:$0x0] =	wrdreg $0x0  }
0xaa: {  	s7 =	sshll.u32 s28, $0x1;
	[dreg:$0x2] =	wrdreg s5  }
0xab: {  	[dreg:$0x3] =	wrdreg s7  }
0xac: {  	[dreg:$0x4] =	wrdreg $0xC0  }
0xad: {  	_ =	task [dreg:s9], $0x5FFFF  }
0xae: {  	[dreg:$0x1] =	wrdreg $0xFFFFFFFF  }
0xaf: {  	[dreg:$0x0] =	wrdreg $0x60  }
0xb0: {  	[dreg:$0x2] =	wrdreg s24  }
0xb1: {  	[dreg:$0x3] =	wrdreg s2  }
0xb2: {  	[dreg:$0x4] =	wrdreg s18  }
0xb3: {  	[dreg:$0x5] =	wrdreg s4  }
0xb4: {  	[dreg:$0x6] =	wrdreg $0x60000  }
0xb5: {  	[dreg:$0x7] =	wrdreg $0x9  }
0xb6: {  	_ =	task.clear_ibuf [dreg:s9], $0x8FFFF;
	_ =	strace $0x90000046  }
0xb7: {  	s29 =	simm.s32 $0x9;
	_ =	strace $0x80000048  }
0xb8: {  	_ =	swait.ge [sflag:s29], $0x1  }
0xb9: {  	[sflag:s29] =	ssyncadd.s32 $0xFFFFFFFF  }
0xba: {  	_ =	strace $0x90000048  }
0xbb: {  	_ =	sfence  }
0xbc: {  	s30 =	sld [smem:$0x0];
	_ =	sdelay $0x2  }
0xbd: {  	s31 =	sshll.u32 s1, $0xD;
	s1 =	sshrl.u32 s1, $0x2  }
0xbe: {  	s3 =	sand.u32 $0x4000, s31;
	s1 =	sadd.s32 s1, s30  }
0xbf: {  	s0 =	sor.u32 s3, s0;
	s1 =	sshll.u32 s1, $0x11  }
0xc0: {  	s0 =	sor.u32 s1, s0  }
0xc1: {  	s0 =	sadd.s32 $0x8F2B, s0  }
0xc2: {  	[sflag:s0] =	ssyncadd.remote.s32 $0x1  }
0xc3: {  	_ =	sfence.sel $0xFFFF  }
0xc4: {  	[dreg:$0x0] =	wrdreg $0xFFFFFFFF;
	(pc) =	sbr.abs _section_cstart, $3  }
0xc5: {  	[dreg:$0x1] =	wrdreg $0xFFFFFFFF  }
0xc6: {  	_ =	task.clear_ibuf [dreg:s9], $0x2FFFF;
	_ =	strace $0x9FFFFFFF  }
0xc7: {  	(tm) =	ssettm $0x7FFFFFFF  }
tec
execute0_lowered:
.L_overlay_start_1:
0x0: {  	(tag) =	ssettag $0x1  }
0x1: {  	s1 =	rddreg [dreg:$0x0]  }
0x2: {  	s0 =	rddreg [dreg:$0x1];
	s2 =	srdreg.scid  }
0x3: {  	s5 =	stileid.u32;
	s7 =	rddreg [dreg:$0x3]  }
0x4: {  	s11 =	simm.s32 $0x9;
	s13 =	simm.s32 $0x6C00;
	s14 =	simm.s32 $0x40  }
0x5: {  	s17 =	simm.s32 $0xAC00;
	s20 =	simm.s32 $0xCC00;
	s28 =	simm.s32 $0x3  }
0x6: {  	s29 =	simm.s32 $0x4;
	s30 =	simm.s32 $0x5;
	s8 =	smul.u32 $0xC0, s5  }
0x7: {  	s31 =	simm.s32 $0x6;
	s2 =	sand.u32 $0x1, s2;
	s24 =	smul.u32 $0x60000, s5  }
0x8: {  	s15 =	simm.s32 $0x0;
	s3 =	sshll.u32 s5, $0x1;
	s9 =	smul.u32 $0x60, s2  }
0x9: {  	s4 =	sor.u32 s2, s3;
	s10 =	ssub.s32 $0x2, s2;
	s2 =	smul.u32 $0x30000, s2  }
0xa: {  	p0 =	sne.s32 s5, $0x0;
	s3 =	rddreg [dreg:$0x4];
	s6 =	smul.u32 $0xC00, s4  }
0xb: {  	s4 =	simm.s32 $0x0;
	s21 =	sshrl.u32 s10, $0x1;
	s23 =	sadd.s32 $0x4000, s3  }
0xc: {  	s26 =	sadd.s32 s24, s7;
	s24 =	simm.s32 $0x2;
	[smem:$0x7FF] =	sst s4  }
0xd: {  	s8 =	sadd.s32 s9, s8;
	_ =	strace $0x80000047;
	s1 =	sadd.s32 s6, s1  }
0xe: {  	s6 =	ssub.s32 s10, s21;
	s22 =	sshll.u32 s8, $0xB;
	[dreg:$0x7] =	wrdreg s23  }
0xf: {  	s21 =	simm.s32 $0x1;
	s23 =	simm.s32 $0x10C00;
	s1 =	sadd.s32 $0x400, s1  }
0x10: {  	s6 =	smax.u32 s6, $0x1;
	[dreg:$0x6] =	wrdreg s1;
	s1 =	sadd.s32 s22, s7  }
.Ltmp0:
0x11: {  	[dreg:$0x8] =	wrdreg s6;
	s25 =	sadd.s32 $0x1800, s1;
	(pc) =	sbr.rel .LBB2_1-.Ltmp0, $4  }
0x12: {  	s22 =	simm.s32 $0xEC00;
	s1 =	sadd.s32 $0x1000, s1;
	[dreg:$0x9] =	wrdreg s25  }
0x13: {  	[dreg:$0xa] =	wrdreg s1;
	s1 =	sadd.s32 s2, s26;
	s25 =	simm.s32 $0x12C00  }
0x14: {  	s26 =	simm.s32 $0x14C00;
	[dreg:$0xb] =	wrdreg s1;
	s1 =	sshrl.u32 @!p0 s3, $0x3  }
0x15: {  	s2 =	simm.s32 $0x7;
	[dreg:$0xc] =	wrdreg s1;
	s1 =	simm.s32 $0x8  }
.LBB2_4:
0x16: {  	_ =	swait.ge [sflag:s30], $0x4000  }
0x17: {  	[sflag:s30] =	ssyncset.done $0x0  }
0x18: {  	[sflag:s30] =	ssyncadd.s32 $0xFFFFC000  }
0x19: {  	_ =	swait.ge [sflag:s31], $0x4000  }
0x1a: {  	[sflag:s31] =	ssyncset.done $0x0  }
0x1b: {  	[sflag:s31] =	ssyncadd.s32 $0xFFFFC000  }
0x1c: {  	_ =	swait.ge [sflag:s2], $0x4000  }
0x1d: {  	[sflag:s2] =	ssyncset.done $0x0  }
0x1e: {  	[sflag:s2] =	ssyncadd.s32 $0xFFFFC000  }
0x1f: {  	_ =	swait.ge [sflag:s1], $0x4000  }
0x20: {  	s15 =	sadd.s32 $0x1, s15;
	s5 =	rddreg [dreg:$0x8]  }
0x21: {  	p1 =	sne.s32 s15, s5  }
.Ltmp1:
0x22: {  	_ = 	snop;
	(pc) =	sbr.rel @!p1 .LBB2_5-.Ltmp1, $3  }
0x23: {  	_ =	sdelay $0x1  }
0x24: {  	[sflag:s1] =	ssyncset.done $0x0  }
0x25: {  	[sflag:s1] =	ssyncadd.s32 $0xFFFFC000  }
.LBB2_1:
0x26: {  	s5 =	rddreg [dreg:$0x6]  }
0x27: {  	[tilespmem:s4], [sflag:$0x9] =	stream.linear.gather [hbm4b:s5+s4], $0x6000, $0x38;
	[tilespmem:$0x16C00] =	vst v63  }
0x28: {  	_ =	swait.ge [sflag:s11], $0x6000  }
0x29: {  	[sflag:s11] =	ssyncset.done $0x0  }
0x2a: {  	s7 =	rddreg [dreg:$0xc];
	[sflag:s11] =	ssyncadd.s32 $0xFFFFA000  }
0x2b: {  	s5 =	simm.s32 @!p0 $0x1C09;
	s6 =	rddreg [dreg:$0x2]  }
0x2c: {  	[spmem:s7], [sflag:s5] =	dma.local @!p0 [hbm:s6], $0x1800  }
0x2d: {  	s5 =	simm.s32 @!p0 $0x9  }
0x2e: {  	_ =	swait.ge @!p0 [sflag:s5], $0x1800  }
0x2f: {  	[sflag:s5] =	ssyncset.done @!p0 $0x0  }
0x30: {  	[sflag:s5] =	ssyncadd.s32 @!p0 $0xFFFFE800  }
0x31: {  	[bflag:$0x0] =	sbarrier.arrive $0xFFFF  }
0x32: {  	[tilespmem:s13], [sflag:$0x9] =	stream.linear.gather [spmem:s3], $0x4000, $0x38;
	[tilespmem:$0x16C00] =	vst v63  }
0x33: {  	_ =	swait.ge [sflag:s11], $0x4000  }
0x34: {  	[sflag:s11] =	ssyncset.done $0x0  }
0x35: {  	[sflag:s11] =	ssyncadd.s32 $0xFFFFC000  }
0x36: {  	[tilespmem:s13], [sflag:$0x1] =	stream.indirect.gather.add.f32 [hbm:s0], $0x80, s4, s14, $0xb8;
	[tilespmem:$0x16C00] =	vst v63  }
0x37: {  	s10 =	simm.s32 $0x80;
	s12 =	simm.s32 $0x8C00  }
0x38: {  	[tilespmem:s12], [sflag:$0x1] =	stream.indirect.gather.add.f32 [hbm:s0], $0x80, s10, s14, $0xb8;
	[tilespmem:$0x16C00] =	vst v63  }
0x39: {  	s16 =	rddreg [dreg:$0x7]  }
0x3a: {  	[tilespmem:s17], [sflag:$0x9] =	stream.linear.gather [spmem:s16], $0x4000, $0x38;
	[tilespmem:$0x16C00] =	vst v63  }
0x3b: {  	_ =	swait.ge [sflag:s11], $0x4000  }
0x3c: {  	[sflag:s11] =	ssyncset.done $0x0  }
0x3d: {  	s18 =	simm.s32 $0x100;
	s10 =	rddreg [dreg:$0xb];
	[sflag:s11] =	ssyncadd.s32 $0xFFFFC000  }
0x3e: {  	[tilespmem:s17], [sflag:$0x2] =	stream.indirect.gather.add.f32 [hbm:s0], $0x80, s18, s14, $0xb8;
	[tilespmem:$0x16C00] =	vst v63  }
0x3f: {  	s19 =	simm.s32 $0x180;
	s9 =	rddreg [dreg:$0xa]  }
0x40: {  	[tilespmem:s20], [sflag:$0x2] =	stream.indirect.gather.add.f32 [hbm:s0], $0x80, s19, s14, $0xb8;
	[tilespmem:$0x16C00] =	vst v63  }
0x41: {  	s5 =	simm.s32 $0x5;
	s8 =	rddreg [dreg:$0x9];
	s19 =	simm.s32 $0x0  }
.LBB2_2:
0x42: {  	_ =	swait.ge [sflag:s21], $0x2000;
	s7 =	sadd.s32 $0xFFFFFFFD, s5  }
0x43: {  	[sflag:s21] =	ssyncset.done $0x0;
	s6 =	smul.u32 $0xAB, s7  }
0x44: {  	[sflag:s21] =	ssyncadd.s32 $0xFFFFE000  }
0x45: {  	_ =	swait.ge [sflag:s21], $0x2000;
	s6 =	sshrl.u32 s6, $0x9  }
0x46: {  	[sflag:s21] =	ssyncset.done $0x0;
	s6 =	sand.u32 $0x7F, s6  }
0x47: {  	p1 =	seq.s32 s19, $0x0;
	[sflag:s21] =	ssyncadd.s32 $0xFFFFE000;
	s6 =	smul.u32 $0x3, s6  }
0x48: {  	[hbm4b:s10+s4] =	stream.linear.scatter [tilespmem:s13], [sflag:$0x5], $0x4000, $0x38;
	[tilespmem:$0x16C00] =	vst v63  }
0x49: {  	s18 =	simm.s32 @!p1 $0x7;
	s6 =	ssub.s32 s7, s6  }
0x4a: {  	_ =	swait.ge @!p1 [sflag:s18], $0x4000;
	s6 =	sand.u32 $0xFF, s6  }
0x4b: {  	[sflag:s18] =	ssyncset.done @!p1 $0x0;
	s6 =	sshll.u32 s6, $0xE  }
0x4c: {  	[sflag:s18] =	ssyncadd.s32 @!p1 $0xFFFFC000;
	s6 =	sadd.s32 s6, s3  }
0x4d: {  	[tilespmem:s22], [sflag:$0x9] =	stream.linear.gather [spmem:s6], $0x4000, $0x38;
	[tilespmem:$0x16C00] =	vst v63  }
0x4e: {  	_ =	swait.ge [sflag:s11], $0x4000  }
0x4f: {  	s7 =	sshra.s32 s19, $0x2;
	[sflag:s11] =	ssyncset.done $0x0  }
0x50: {  	s18 =	sadd.s32 $0x200, s7;
	[sflag:s11] =	ssyncadd.s32 $0xFFFFC000  }
0x51: {  	[tilespmem:s22], [sflag:$0x3] =	stream.indirect.gather.add.f32 [hbm:s0], $0x80, s18, s14, $0xb8;
	[tilespmem:$0x16C00] =	vst v63  }
0x52: {  	s12 =	sadd.s32 $0x280, s7  }
0x53: {  	[tilespmem:s23], [sflag:$0x3] =	stream.indirect.gather.add.f32 [hbm:s0], $0x80, s12, s14, $0xb8;
	[tilespmem:$0x16C00] =	vst v63  }
0x54: {  	s16 =	sadd.s32 $0xFFFFFFFE, s5;
	_ =	swait.ge [sflag:s24], $0x2000  }
0x55: {  	s12 =	smul.u32 $0xAB, s16;
	[sflag:s24] =	ssyncset.done $0x0  }
0x56: {  	[sflag:s24] =	ssyncadd.s32 $0xFFFFE000  }
0x57: {  	s18 =	sshrl.u32 s12, $0x9;
	_ =	swait.ge [sflag:s24], $0x2000  }
0x58: {  	s18 =	sand.u32 $0x7F, s18;
	[sflag:s24] =	ssyncset.done $0x0  }
0x59: {  	s12 =	sadd.s32 $0xFFFFF000, s8;
	s18 =	smul.u32 $0x3, s18;
	[sflag:s24] =	ssyncadd.s32 $0xFFFFE000  }
0x5a: {  	[hbm4b:s12+s4] =	stream.linear.scatter [tilespmem:s17], [sflag:$0x6], $0x4000, $0x38;
	[tilespmem:$0x16C00] =	vst v63  }
0x5b: {  	s6 =	ssub.s32 s16, s18;
	s12 =	simm.s32 @!p1 $0x8  }
0x5c: {  	s6 =	sand.u32 $0xFF, s6;
	_ =	swait.ge @!p1 [sflag:s12], $0x4000  }
0x5d: {  	s6 =	sshll.u32 s6, $0xE;
	[sflag:s12] =	ssyncset.done @!p1 $0x0  }
0x5e: {  	s6 =	sadd.s32 s6, s3;
	[sflag:s12] =	ssyncadd.s32 @!p1 $0xFFFFC000  }
0x5f: {  	[tilespmem:s25], [sflag:$0x9] =	stream.linear.gather [spmem:s6], $0x4000, $0x38;
	[tilespmem:$0x16C00] =	vst v63  }
0x60: {  	_ =	swait.ge [sflag:s11], $0x4000  }
0x61: {  	p1 =	seq.s32 s19, $0x17000;
	[sflag:s11] =	ssyncset.done $0x0  }
0x62: {  	s16 =	sadd.s32 $0x300, s7;
	s6 =	sadd.s32 @!p1 $0xFFFFFFFF, s5;
	[sflag:s11] =	ssyncadd.s32 $0xFFFFC000  }
0x63: {  	[tilespmem:s25], [sflag:$0x4] =	stream.indirect.gather.add.f32 [hbm:s0], $0x80, s16, s14, $0xb8;
	[tilespmem:$0x16C00] =	vst v63  }
0x64: {  	s18 =	sadd.s32 $0x380, s7;
	s12 =	smul.u32 @!p1 $0xAB, s6  }
0x65: {  	[tilespmem:s26], [sflag:$0x4] =	stream.indirect.gather.add.f32 [hbm:s0], $0x80, s18, s14, $0xb8;
	[tilespmem:$0x16C00] =	vst v63  }
0x66: {  	_ =	swait.ge [sflag:s28], $0x2000  }
0x67: {  	s12 =	sshrl.u32 @!p1 s12, $0x9;
	[sflag:s28] =	ssyncset.done $0x0  }
0x68: {  	s12 =	sand.u32 @!p1 $0x7F, s12;
	[sflag:s28] =	ssyncadd.s32 $0xFFFFE000  }
0x69: {  	s12 =	smul.u32 @!p1 $0x3, s12;
	_ =	swait.ge [sflag:s28], $0x2000  }
0x6a: {  	[sflag:s28] =	ssyncset.done $0x0  }
0x6b: {  	s18 =	simm.s32 @!p1 $0x5;
	s6 =	ssub.s32 @!p1 s6, s12;
	[sflag:s28] =	ssyncadd.s32 $0xFFFFE000  }
0x6c: {  	[hbm4b:s9+s4] =	stream.linear.scatter [tilespmem:s22], [sflag:$0x7], $0x4000, $0x38;
	[tilespmem:$0x16C00] =	vst v63  }
0x6d: {  	s6 =	sand.u32 @!p1 $0xFF, s6;
	_ =	swait.ge @!p1 [sflag:s18], $0x4000  }
0x6e: {  	s6 =	sshll.u32 @!p1 s6, $0xE;
	[sflag:s18] =	ssyncset.done @!p1 $0x0  }
0x6f: {  	s12 =	simm.s32 @!p1 $0x6C00;
	s6 =	sadd.s32 @!p1 s6, s3;
	[sflag:s18] =	ssyncadd.s32 @!p1 $0xFFFFC000  }
0x70: {  	[tilespmem:s12], [sflag:$0x9] =	stream.linear.gather @!p1 [spmem:s6], $0x4000, $0x38;
	[tilespmem:$0x16C00] =	vst v63  }
0x71: {  	s6 =	simm.s32 @!p1 $0x9  }
0x72: {  	_ =	swait.ge @!p1 [sflag:s6], $0x4000  }
0x73: {  	s18 =	sshra.s32 @!p1 s19, $0x2;
	[sflag:s6] =	ssyncset.done @!p1 $0x0  }
0x74: {  	s16 =	simm.s32 @!p1 $0x40;
	[sflag:s6] =	ssyncadd.s32 @!p1 $0xFFFFC000;
	s6 =	sadd.s32 @!p1 $0x400, s18  }
0x75: {  	[tilespmem:s12], [sflag:$0x1] =	stream.indirect.gather.add.f32 @!p1 [hbm:s0], $0x80, s6, s16, $0xb8;
	[tilespmem:$0x16C00] =	vst v63  }
0x76: {  	s6 =	sadd.s32 @!p1 $0x480, s18;
	s12 =	simm.s32 @!p1 $0x8C00  }
0x77: {  	[tilespmem:s12], [sflag:$0x1] =	stream.indirect.gather.add.f32 @!p1 [hbm:s0], $0x80, s6, s16, $0xb8;
	[tilespmem:$0x16C00] =	vst v63  }
0x78: {  	_ =	swait.ge [sflag:s29], $0x2000  }
0x79: {  	[sflag:s29] =	ssyncset.done $0x0  }
.Ltmp2:
0x7a: {  	[sflag:s29] =	ssyncadd.s32 $0xFFFFE000;
	(pc) =	sbr.rel @p1 .LBB2_4-.Ltmp2, $4  }
0x7b: {  	_ =	swait.ge [sflag:s29], $0x2000  }
0x7c: {  	[sflag:s29] =	ssyncset.done $0x0  }
0x7d: {  	[sflag:s29] =	ssyncadd.s32 $0xFFFFE000  }
0x7e: {  	[hbm4b:s8+s4] =	stream.linear.scatter [tilespmem:s25], [sflag:$0x8], $0x4000, $0x38;
	[tilespmem:$0x16C00] =	vst v63  }
0x7f: {  	s6 =	smul.u32 $0xAB, s5;
	_ =	sdelay $0x1  }
0x80: {  	s6 =	sshrl.u32 s6, $0x9  }
0x81: {  	s6 =	sand.u32 $0x7F, s6  }
0x82: {  	s6 =	smul.u32 $0x3, s6;
	_ =	sdelay $0x1  }
0x83: {  	s6 =	ssub.s32 s5, s6  }
0x84: {  	_ =	swait.ge [sflag:s31], $0x4000;
	s6 =	sand.u32 $0xFF, s6  }
0x85: {  	[sflag:s31] =	ssyncset.done $0x0;
	s6 =	sshll.u32 s6, $0xE  }
0x86: {  	[sflag:s31] =	ssyncadd.s32 $0xFFFFC000;
	s6 =	sadd.s32 s6, s3  }
0x87: {  	[tilespmem:s17], [sflag:$0x9] =	stream.linear.gather [spmem:s6], $0x4000, $0x38;
	[tilespmem:$0x16C00] =	vst v63  }
0x88: {  	s16 =	sadd.s32 $0x500, s7;
	_ =	swait.ge [sflag:s11], $0x4000  }
.Ltmp3:
0x89: {  	s18 =	sadd.s32 $0x580, s7;
	[sflag:s11] =	ssyncset.done $0x0;
	(pc) =	sbr.rel .LBB2_2-.Ltmp3, $4  }
0x8a: {  	s8 =	sadd.s32 $0x2000, s8;
	s19 =	sadd.s32 $0x1000, s19;
	[sflag:s11] =	ssyncadd.s32 $0xFFFFC000  }
0x8b: {  	[tilespmem:s17], [sflag:$0x2] =	stream.indirect.gather.add.f32 [hbm:s0], $0x80, s16, s14, $0xb8;
	[tilespmem:$0x16C00] =	vst v63  }
0x8c: {  	s9 =	sadd.s32 $0x2000, s9;
	s10 =	sadd.s32 $0x2000, s10;
	s5 =	sadd.s32 $0x4, s5  }
0x8d: {  	[tilespmem:s20], [sflag:$0x2] =	stream.indirect.gather.add.f32 [hbm:s0], $0x80, s18, s14, $0xb8;
	[tilespmem:$0x16C00] =	vst v63  }
.LBB2_5:
0x8e: {  	_ =	sfence.sel $0x180000  }
0x8f: {  	[bflag:$0x0] =	sbarrier.arrive $0xFFFF  }
0x90: {  	_ =	strace $0x90000047  }
0x91: {  	[bflag:$0x2] =	sbarrier.arrive $0xFFFF  }
0x92: {  	s0 =	rddreg [dreg:$0x5]  }
0x93: {  	s0 =	sadd.s32 @!p0 $0x100000, s0  }
0x94: {  	[sflag:s0] =	ssyncadd.tile.s32 @!p0 $0x1;
	_ =	shalt  }
.Lfunc_end2:
_tile_overlayer_lowered:
.L_overlay_start_2:
0x95: {  	(tag) =	ssettag $0x2  }
0x96: {  	s0 =	rddreg [dreg:$0x0];
	s2 =	stileid.u32  }
0x97: {  	s1 =	rddreg [dreg:$0x1];
	p0 =	sne.s32 s2, $0x0  }
0x98: {  	s3 =	rddreg [dreg:$0x2];
	[bflag:$0x3] =	sbarrier.arrive $0xFFFF;
	s2 =	simm.s32 @!p0 $0x1C09  }
0x99: {  	[timem:s3], [sflag:s2] =	dma.local @!p0 [hbm:s0], s1  }
0x9a: {  	s0 =	simm.s32 @!p0 $0x9  }
0x9b: {  	_ =	swait.ge @!p0 [sflag:s0], s1  }
0x9c: {  	s1 =	ssub.s32 @!p0 $0x0, s1;
	[sflag:s0] =	ssyncset.done @!p0 $0x0  }
0x9d: {  	[sflag:s0] =	ssyncadd.s32 @!p0 s1  }
0x9e: {  	[bflag:$0x3] =	sbarrier.arrive $0xFFFF  }
0x9f: {  	_ =	shalt  }

</sc_bundles>
